<compile_context>
chip_gen: v7x
topology: tpu7x:2x2x1
jax: 0.10.2.dev20260603
libtpu: 0.0.44.dev20260713+nightly
codegen_flags: <defaults>
</compile_context>

<pallas_src>
import functools

import jax
import jax.numpy as jnp
from jax import lax
from jax.experimental import pallas as pl
from jax.experimental.pallas import tpu as pltpu
from jax.experimental.pallas import tpu_sc as plsc

_B, _T = 1024, 200
_EMB = 64
_NE = 16
_EPS = 1e-5

_NC, _NS = 2, 16
_NW = _NC * _NS
_ROWS = _B * _T
_RPW = _ROWS // _NW
_CH = 800
_NCHUNK = _RPW // _CH
_OUTC = 3 * _EMB + 2 * _NE


def _stats_body(x0_ref, x1_ref, sl_ref, gb_ref, out_ref):
    sl = sl_ref[...]
    t = lax.broadcasted_iota(jnp.int32, (_B, _T), 1)
    m = (t < sl).astype(jnp.float32)
    cnt = jnp.maximum(jnp.sum(m), 1.0)
    for i, x_ref in enumerate((x0_ref, x1_ref)):
        x = x_ref[...]
        mean = jnp.sum(x * m) / cnt
        var = jnp.sum(((x - mean) ** 2) * m) / cnt
        gamma = gb_ref[0, 2 * i]
        beta = gb_ref[0, 2 * i + 1]
        scale = gamma * lax.rsqrt(var + _EPS)
        out_ref[0, 2 * i] = scale
        out_ref[0, 2 * i + 1] = beta - mean * scale


def _stats_call(x0, x1, sl2, gb):
    return pl.pallas_call(
        _stats_body,
        out_shape=jax.ShapeDtypeStruct((1, 4), jnp.float32),
        in_specs=[
            pl.BlockSpec((_B, _T), lambda: (0, 0)),
            pl.BlockSpec((_B, _T), lambda: (0, 0)),
            pl.BlockSpec((_B, 1), lambda: (0, 0)),
            pl.BlockSpec(memory_space=pltpu.SMEM),
        ],
        out_specs=pl.BlockSpec(memory_space=pltpu.SMEM),
    )(x0, x1, sl2, gb)


_PAIR = 2 * _EMB


def _sc_body(i0, i1, i2, t0, t1, t2, o0, o1, o2, idx_v, rows_v, sem):
    wid = lax.axis_index("s") * _NC + lax.axis_index("c")
    base = wid * _RPW

    def chunk_body(c, carry):
        off = base + c * _CH
        for iref, tref, oref in ((i0, t0, o0), (i1, t1, o1), (i2, t2, o2)):
            pltpu.sync_copy(iref.at[pl.ds(off, _CH)], idx_v)
            pltpu.async_copy(tref.at[idx_v], rows_v, sem).wait()
            pltpu.sync_copy(rows_v, oref.at[pl.ds(off, _CH)])
        return carry

    lax.fori_loop(0, _NCHUNK, chunk_body, 0)


_sc_gather = functools.partial(
    pl.kernel,
    _sc_body,
    out_type=[jax.ShapeDtypeStruct((_ROWS, _PAIR), jnp.float32)] * 3,
    mesh=plsc.VectorSubcoreMesh(
        core_axis_name="c", subcore_axis_name="s",
        num_cores=_NC, num_subcores=_NS),
    scratch_types=[
        pltpu.VMEM((_CH,), jnp.int32),
        pltpu.VMEM((_CH, _PAIR), jnp.float32),
        pltpu.SemaphoreType.DMA,
    ],
)()


_RB = 8 * _T


def _fuse_body(c0_ref, c1_ref, c2_ref, e0_ref, e1_ref, e2_ref,
               x0_ref, x1_ref, sl_ref, wb_ref, sc_ref, out_ref):
    t = lax.broadcasted_iota(jnp.int32, (_RB, 1), 0) % _T
    mask = t < sl_ref[...]
    wb = wb_ref[...]
    cats = []
    for c_ref, e_ref in ((c0_ref, e0_ref), (c1_ref, e1_ref), (c2_ref, e2_ref)):
        c = c_ref[...]
        odd = (e_ref[...] & 1) == 1
        cats.append(jnp.where(odd, c[:, _EMB:], c[:, :_EMB]))
    halves = []
    for i, x_ref in enumerate((x0_ref, x1_ref)):
        x = x_ref[...]
        n = jnp.where(mask, x * sc_ref[0, 2 * i] + sc_ref[0, 2 * i + 1], x)
        w = wb[:, 32 * i:32 * i + _NE]
        b = wb[:, 32 * i + _NE:32 * i + 32]
        halves.append(n * w + b)
    out_ref[...] = jnp.concatenate(cats + halves, axis=-1)


def _fuse_call(c0, c1, c2, e0, e1, e2, x0, x1, slr, wb, sc):
    cat_spec = pl.BlockSpec((_RB, _PAIR), lambda i: (i, 0))
    col_spec = pl.BlockSpec((_RB, 1), lambda i: (i, 0))
    return pl.pallas_call(
        _fuse_body,
        grid=(_ROWS // _RB,),
        out_shape=jax.ShapeDtypeStruct((_ROWS, _OUTC), jnp.float32),
        in_specs=[
            cat_spec, cat_spec, cat_spec,
            col_spec, col_spec, col_spec,
            col_spec, col_spec,
            col_spec,
            pl.BlockSpec((1, 64), lambda i: (0, 0)),
            pl.BlockSpec(memory_space=pltpu.SMEM),
        ],
        out_specs=pl.BlockSpec((_RB, _OUTC), lambda i: (i, 0)),
    )(c0, c1, c2, e0, e1, e2, x0, x1, slr, wb, sc)


def kernel(emb_feat_0, emb_feat_1, emb_feat_2, num_feat_0, num_feat_1,
           event_time, seq_lens, emb_table_0, emb_table_1, emb_table_2,
           bn_gamma_0, bn_beta_0, bn_gamma_1, bn_beta_1,
           lin_w_0, lin_b_0, lin_w_1, lin_b_1):
    i0 = emb_feat_0.astype(jnp.int32).reshape(_ROWS)
    i1 = emb_feat_1.astype(jnp.int32).reshape(_ROWS)
    i2 = emb_feat_2.astype(jnp.int32).reshape(_ROWS)
    x0 = num_feat_0.astype(jnp.float32)
    x1 = num_feat_1.astype(jnp.float32)
    sl2 = seq_lens.astype(jnp.int32).reshape(_B, 1)
    gb = jnp.stack([bn_gamma_0.astype(jnp.float32).reshape(()),
                    bn_beta_0.astype(jnp.float32).reshape(()),
                    bn_gamma_1.astype(jnp.float32).reshape(()),
                    bn_beta_1.astype(jnp.float32).reshape(())]).reshape(1, 4)
    wb = jnp.concatenate([lin_w_0.astype(jnp.float32).reshape(_NE),
                          lin_b_0.astype(jnp.float32).reshape(_NE),
                          lin_w_1.astype(jnp.float32).reshape(_NE),
                          lin_b_1.astype(jnp.float32).reshape(_NE)]).reshape(1, 64)

    sc = _stats_call(x0, x1, sl2, gb)
    c0, c1, c2 = _sc_gather(
        i0 >> 1, i1 >> 1, i2 >> 1,
        emb_table_0.astype(jnp.float32).reshape(-1, _PAIR),
        emb_table_1.astype(jnp.float32).reshape(-1, _PAIR),
        emb_table_2.astype(jnp.float32).reshape(-1, _PAIR))
    slr = jnp.repeat(sl2.reshape(_B), _T).reshape(_ROWS, 1)
    out = _fuse_call(c0, c1, c2,
                     i0.reshape(_ROWS, 1), i1.reshape(_ROWS, 1),
                     i2.reshape(_ROWS, 1),
                     x0.reshape(_ROWS, 1), x1.reshape(_ROWS, 1),
                     slr, wb, sc)
    return (out.reshape(_B, _T, _OUTC), event_time.astype(jnp.float32))

# --- scband reference (transcript-rebuilt; emitter-appended) ---
"""Pipeline reference for scband-feature-processor-12266426597510 (READ-ONLY COPY).

The authoritative reference and input builder live on the scoring server;
editing this copy changes nothing except your own understanding.
"""

import jax, jax.numpy as jnp
import numpy as np

B, T = 1024, 200
VOCAB, EMB = 100000, 64
NUM_EMB = 16
EPS = 1e-5


def setup_inputs(seed: int = 0) -> dict:
    key = jax.random.key(seed)
    ks = jax.random.split(key, 16)
    inp = {}
    inp['emb_feat_0'] = jax.random.randint(ks[0], (B, T), 0, VOCAB)
    inp['emb_feat_1'] = jax.random.randint(ks[1], (B, T), 0, VOCAB)
    inp['emb_feat_2'] = jax.random.randint(ks[2], (B, T), 0, VOCAB)
    inp['num_feat_0'] = jax.random.normal(ks[3], (B, T), dtype=jnp.float32)
    inp['num_feat_1'] = jax.random.normal(ks[4], (B, T), dtype=jnp.float32)
    inp['event_time'] = jax.random.uniform(ks[5], (B, T), dtype=jnp.float32)
    inp['seq_lens'] = jax.random.randint(ks[6], (B,), 0, T)
    inp['emb_table_0'] = jax.random.normal(ks[7], (VOCAB, EMB), dtype=jnp.float32) * 0.02
    inp['emb_table_1'] = jax.random.normal(ks[8], (VOCAB, EMB), dtype=jnp.float32) * 0.02
    inp['emb_table_2'] = jax.random.normal(ks[9], (VOCAB, EMB), dtype=jnp.float32) * 0.02
    inp['bn_gamma_0'] = jnp.ones(())
    inp['bn_beta_0'] = jnp.zeros(())
    inp['bn_gamma_1'] = jnp.ones(())
    inp['bn_beta_1'] = jnp.zeros(())
    inp['lin_w_0'] = jax.random.normal(ks[10], (1, NUM_EMB), dtype=jnp.float32) * 0.1
    inp['lin_b_0'] = jnp.zeros((NUM_EMB,))
    inp['lin_w_1'] = jax.random.normal(ks[11], (1, NUM_EMB), dtype=jnp.float32) * 0.1
    inp['lin_b_1'] = jnp.zeros((NUM_EMB,))
    return inp


def _rbn_with_lens(x, seq_lens, gamma, beta):
    # BatchNorm1d(1) in training mode applied only to non-padded positions;
    # padded positions pass through unchanged. Output shape [B, T, 1].
    mask = jnp.arange(T)[None, :] < seq_lens[:, None]
    m = mask.astype(x.dtype)
    cnt = jnp.maximum(m.sum(), 1.0)
    mean = (x * m).sum() / cnt
    var = (((x - mean) ** 2) * m).sum() / cnt  # biased var, as BN uses for normalization
    xn = (x - mean) / jnp.sqrt(var + EPS) * gamma + beta
    out = jnp.where(mask, xn, x)
    return out[..., None]


def reference(emb_feat_0, emb_feat_1, emb_feat_2, num_feat_0, num_feat_1,
              event_time, seq_lens, emb_table_0, emb_table_1, emb_table_2,
              bn_gamma_0, bn_beta_0, bn_gamma_1, bn_beta_1,
              lin_w_0, lin_b_0, lin_w_1, lin_b_1):
    time_steps = event_time.astype(jnp.float32)
    # categorical embeddings (gather)
    cat0 = jnp.take(emb_table_0, emb_feat_0, axis=0)
    cat1 = jnp.take(emb_table_1, emb_feat_1, axis=0)
    cat2 = jnp.take(emb_table_2, emb_feat_2, axis=0)
    categoric_tensor = jnp.concatenate([cat0, cat1, cat2], axis=-1)
    # numeric features: masked batchnorm then Linear(1 -> NUM_EMB)
    n0 = _rbn_with_lens(num_feat_0, seq_lens, bn_gamma_0, bn_beta_0)
    n0 = n0 @ lin_w_0 + lin_b_0
    n1 = _rbn_with_lens(num_feat_1, seq_lens, bn_gamma_1, bn_beta_1)
    n1 = n1 @ lin_w_1 + lin_b_1
    numeric_tensor = jnp.concatenate([n0, n1], axis=-1)
    out = jnp.concatenate([categoric_tensor, numeric_tensor], axis=-1)
    return (out, time_steps)

if __name__ == "__main__":
    import jax
    _d = setup_inputs()
    print(jax.jit(kernel)(*tuple(_d.values())))

</pallas_src>

<mosaic_0001>
#map = affine_map<(d0, d1) -> (0)>
#map1 = affine_map<(d0, d1) -> (0, 0)>
module attributes {stable_mosaic.version = 14 : i64} {
  func.func @_sc_body(%arg0: i32, %arg1: i32, %arg2: memref<204800xi32, #tpu.memory_space<hbm>>, %arg3: memref<204800xi32, #tpu.memory_space<hbm>>, %arg4: memref<204800xi32, #tpu.memory_space<hbm>>, %arg5: memref<50000x128xf32, #tpu.memory_space<hbm>>, %arg6: memref<50000x128xf32, #tpu.memory_space<hbm>>, %arg7: memref<50000x128xf32, #tpu.memory_space<hbm>>, %arg8: memref<204800x128xf32, #tpu.memory_space<hbm>>, %arg9: memref<204800x128xf32, #tpu.memory_space<hbm>>, %arg10: memref<204800x128xf32, #tpu.memory_space<hbm>>, %arg11: memref<800xi32, #tpu.memory_space<vmem>>, %arg12: memref<800x128xf32, #tpu.memory_space<vmem>>, %arg13: memref<!tpu.dma_semaphore, #tpu.memory_space<semaphore_mem>>) attributes {dimension_semantics = [#tpu.dimension_semantics<core_parallel>, #tpu.dimension_semantics<subcore_parallel>], iteration_bounds = array<i64: 2, 16>, scalar_prefetch = 0 : i64, scratch_operands = 3 : i64, tpu.core_type = #tpu.core_type<sc_vector_subcore>, window_params = [{transform_indices = #map}, {transform_indices = #map}, {transform_indices = #map}, {transform_indices = #map1}, {transform_indices = #map1}, {transform_indices = #map1}, {transform_indices = #map1}, {transform_indices = #map1}, {transform_indices = #map1}]} {
    %mul3A = arith.constant 2 : i32
    %mul3A_0 = arith.muli %arg1, %mul3A : i32
    %add3A = arith.addi %mul3A_0, %arg0 : i32
    %mul3A_1 = arith.constant 6400 : i32
    %mul3A_2 = arith.muli %add3A, %mul3A_1 : i32
    %scan3A = arith.constant 0 : i32
    %scan3A_3 = arith.constant 0 : i32
    %scan3A_4 = arith.constant 8 : i32
    %scan3A_5 = arith.addi %scan3A_3, %scan3A_4 : i32
    %scan3A_6 = arith.constant 1 : i32
    scf.for %scan3A_8 = %scan3A_3 to %scan3A_5 step %scan3A_6  : i32 {
      %mul3A_9 = arith.constant 800 : i32
      %mul3A_10 = arith.muli %scan3A_8, %mul3A_9 : i32
      %add3A_11 = arith.addi %mul3A_2, %mul3A_10 : i32
      "tpu.region"() ({
        %run_scoped3A = tpu.sem_alloc : memref<!tpu.dma_semaphore, #tpu.memory_space<semaphore_mem>>
        %dma_start3A_28 = tpu.memref_slice %arg2[%add3A_11] : memref<204800xi32, #tpu.memory_space<hbm>> -> memref<800xi32, #tpu.memory_space<hbm>>
        %dma_start3A_29 = tpu.memref_slice %arg2[%add3A_11] : memref<204800xi32, #tpu.memory_space<hbm>> -> memref<800xi32, #tpu.memory_space<hbm>>
        tpu.enqueue_dma source(%dma_start3A_29 : memref<800xi32, #tpu.memory_space<hbm>>) target(%arg11 : memref<800xi32, #tpu.memory_space<vmem>>) target_semaphore(%run_scoped3A : memref<!tpu.dma_semaphore, #tpu.memory_space<semaphore_mem>>)
        %dma_wait3A_30 = tpu.memref_slice %arg2[%add3A_11] : memref<204800xi32, #tpu.memory_space<hbm>> -> memref<800xi32, #tpu.memory_space<hbm>>
        %dma_wait3A_31 = tpu.memref_slice %arg2[%add3A_11] : memref<204800xi32, #tpu.memory_space<hbm>> -> memref<800xi32, #tpu.memory_space<hbm>>
        tpu.wait_dma2 semaphore(%run_scoped3A : memref<!tpu.dma_semaphore, #tpu.memory_space<semaphore_mem>>) src(%dma_wait3A_31 : memref<800xi32, #tpu.memory_space<hbm>>) dst(%arg11 : memref<800xi32, #tpu.memory_space<vmem>>)
        tpu.yield
      }) : () -> ()
      %dma_start3A = arith.constant 0 : i32
      %dma_start3A_12 = arith.constant 0 : i32
      %dma_start3A_13 = tpu.memref_slice %arg5[%dma_start3A, %dma_start3A_12] : memref<50000x128xf32, #tpu.memory_space<hbm>> -> memref<50000x128xf32, #tpu.memory_space<hbm>>
      tpu.enqueue_indirect_dma source(%dma_start3A_13 : memref<50000x128xf32, #tpu.memory_space<hbm>>) target(%arg12 : memref<800x128xf32, #tpu.memory_space<vmem>>) offsets(%arg11 : memref<800xi32, #tpu.memory_space<vmem>>) semaphore(%arg13 : memref<!tpu.dma_semaphore, #tpu.memory_space<semaphore_mem>>)
      %dma_wait3A = arith.constant 0 : i32
      %dma_wait3A_14 = arith.constant 0 : i32
      %dma_wait3A_15 = tpu.memref_slice %arg5[%dma_wait3A, %dma_wait3A_14] : memref<50000x128xf32, #tpu.memory_space<hbm>> -> memref<50000x128xf32, #tpu.memory_space<hbm>>
      tpu.wait_indirect_dma semaphore(%arg13 : memref<!tpu.dma_semaphore, #tpu.memory_space<semaphore_mem>>) src(%dma_wait3A_15 : memref<50000x128xf32, #tpu.memory_space<hbm>>) dst(%arg12 : memref<800x128xf32, #tpu.memory_space<vmem>>)
      "tpu.region"() ({
        %run_scoped3A = tpu.sem_alloc : memref<!tpu.dma_semaphore, #tpu.memory_space<semaphore_mem>>
        %dma_start3A_28 = arith.constant 0 : i32
        %dma_start3A_29 = tpu.memref_slice %arg8[%add3A_11, %dma_start3A_28] : memref<204800x128xf32, #tpu.memory_space<hbm>> -> memref<800x128xf32, #tpu.memory_space<hbm>>
        %dma_start3A_30 = arith.constant 0 : i32
        %dma_start3A_31 = tpu.memref_slice %arg8[%add3A_11, %dma_start3A_30] : memref<204800x128xf32, #tpu.memory_space<hbm>> -> memref<800x128xf32, #tpu.memory_space<hbm>>
        tpu.enqueue_dma source(%arg12 : memref<800x128xf32, #tpu.memory_space<vmem>>) target(%dma_start3A_31 : memref<800x128xf32, #tpu.memory_space<hbm>>) target_semaphore(%run_scoped3A : memref<!tpu.dma_semaphore, #tpu.memory_space<semaphore_mem>>)
        %dma_wait3A_32 = arith.constant 0 : i32
        %dma_wait3A_33 = tpu.memref_slice %arg8[%add3A_11, %dma_wait3A_32] : memref<204800x128xf32, #tpu.memory_space<hbm>> -> memref<800x128xf32, #tpu.memory_space<hbm>>
        %dma_wait3A_34 = arith.constant 0 : i32
        %dma_wait3A_35 = tpu.memref_slice %arg8[%add3A_11, %dma_wait3A_34] : memref<204800x128xf32, #tpu.memory_space<hbm>> -> memref<800x128xf32, #tpu.memory_space<hbm>>
        tpu.wait_dma2 semaphore(%run_scoped3A : memref<!tpu.dma_semaphore, #tpu.memory_space<semaphore_mem>>) src(%arg12 : memref<800x128xf32, #tpu.memory_space<vmem>>) dst(%dma_wait3A_35 : memref<800x128xf32, #tpu.memory_space<hbm>>)
        tpu.yield
      }) : () -> ()
      "tpu.region"() ({
        %run_scoped3A = tpu.sem_alloc : memref<!tpu.dma_semaphore, #tpu.memory_space<semaphore_mem>>
        %dma_start3A_28 = tpu.memref_slice %arg3[%add3A_11] : memref<204800xi32, #tpu.memory_space<hbm>> -> memref<800xi32, #tpu.memory_space<hbm>>
        %dma_start3A_29 = tpu.memref_slice %arg3[%add3A_11] : memref<204800xi32, #tpu.memory_space<hbm>> -> memref<800xi32, #tpu.memory_space<hbm>>
        tpu.enqueue_dma source(%dma_start3A_29 : memref<800xi32, #tpu.memory_space<hbm>>) target(%arg11 : memref<800xi32, #tpu.memory_space<vmem>>) target_semaphore(%run_scoped3A : memref<!tpu.dma_semaphore, #tpu.memory_space<semaphore_mem>>)
        %dma_wait3A_30 = tpu.memref_slice %arg3[%add3A_11] : memref<204800xi32, #tpu.memory_space<hbm>> -> memref<800xi32, #tpu.memory_space<hbm>>
        %dma_wait3A_31 = tpu.memref_slice %arg3[%add3A_11] : memref<204800xi32, #tpu.memory_space<hbm>> -> memref<800xi32, #tpu.memory_space<hbm>>
        tpu.wait_dma2 semaphore(%run_scoped3A : memref<!tpu.dma_semaphore, #tpu.memory_space<semaphore_mem>>) src(%dma_wait3A_31 : memref<800xi32, #tpu.memory_space<hbm>>) dst(%arg11 : memref<800xi32, #tpu.memory_space<vmem>>)
        tpu.yield
      }) : () -> ()
      %dma_start3A_16 = arith.constant 0 : i32
      %dma_start3A_17 = arith.constant 0 : i32
      %dma_start3A_18 = tpu.memref_slice %arg6[%dma_start3A_16, %dma_start3A_17] : memref<50000x128xf32, #tpu.memory_space<hbm>> -> memref<50000x128xf32, #tpu.memory_space<hbm>>
      tpu.enqueue_indirect_dma source(%dma_start3A_18 : memref<50000x128xf32, #tpu.memory_space<hbm>>) target(%arg12 : memref<800x128xf32, #tpu.memory_space<vmem>>) offsets(%arg11 : memref<800xi32, #tpu.memory_space<vmem>>) semaphore(%arg13 : memref<!tpu.dma_semaphore, #tpu.memory_space<semaphore_mem>>)
      %dma_wait3A_19 = arith.constant 0 : i32
      %dma_wait3A_20 = arith.constant 0 : i32
      %dma_wait3A_21 = tpu.memref_slice %arg6[%dma_wait3A_19, %dma_wait3A_20] : memref<50000x128xf32, #tpu.memory_space<hbm>> -> memref<50000x128xf32, #tpu.memory_space<hbm>>
      tpu.wait_indirect_dma semaphore(%arg13 : memref<!tpu.dma_semaphore, #tpu.memory_space<semaphore_mem>>) src(%dma_wait3A_21 : memref<50000x128xf32, #tpu.memory_space<hbm>>) dst(%arg12 : memref<800x128xf32, #tpu.memory_space<vmem>>)
      "tpu.region"() ({
        %run_scoped3A = tpu.sem_alloc : memref<!tpu.dma_semaphore, #tpu.memory_space<semaphore_mem>>
        %dma_start3A_28 = arith.constant 0 : i32
        %dma_start3A_29 = tpu.memref_slice %arg9[%add3A_11, %dma_start3A_28] : memref<204800x128xf32, #tpu.memory_space<hbm>> -> memref<800x128xf32, #tpu.memory_space<hbm>>
        %dma_start3A_30 = arith.constant 0 : i32
        %dma_start3A_31 = tpu.memref_slice %arg9[%add3A_11, %dma_start3A_30] : memref<204800x128xf32, #tpu.memory_space<hbm>> -> memref<800x128xf32, #tpu.memory_space<hbm>>
        tpu.enqueue_dma source(%arg12 : memref<800x128xf32, #tpu.memory_space<vmem>>) target(%dma_start3A_31 : memref<800x128xf32, #tpu.memory_space<hbm>>) target_semaphore(%run_scoped3A : memref<!tpu.dma_semaphore, #tpu.memory_space<semaphore_mem>>)
        %dma_wait3A_32 = arith.constant 0 : i32
        %dma_wait3A_33 = tpu.memref_slice %arg9[%add3A_11, %dma_wait3A_32] : memref<204800x128xf32, #tpu.memory_space<hbm>> -> memref<800x128xf32, #tpu.memory_space<hbm>>
        %dma_wait3A_34 = arith.constant 0 : i32
        %dma_wait3A_35 = tpu.memref_slice %arg9[%add3A_11, %dma_wait3A_34] : memref<204800x128xf32, #tpu.memory_space<hbm>> -> memref<800x128xf32, #tpu.memory_space<hbm>>
        tpu.wait_dma2 semaphore(%run_scoped3A : memref<!tpu.dma_semaphore, #tpu.memory_space<semaphore_mem>>) src(%arg12 : memref<800x128xf32, #tpu.memory_space<vmem>>) dst(%dma_wait3A_35 : memref<800x128xf32, #tpu.memory_space<hbm>>)
        tpu.yield
      }) : () -> ()
      "tpu.region"() ({
        %run_scoped3A = tpu.sem_alloc : memref<!tpu.dma_semaphore, #tpu.memory_space<semaphore_mem>>
        %dma_start3A_28 = tpu.memref_slice %arg4[%add3A_11] : memref<204800xi32, #tpu.memory_space<hbm>> -> memref<800xi32, #tpu.memory_space<hbm>>
        %dma_start3A_29 = tpu.memref_slice %arg4[%add3A_11] : memref<204800xi32, #tpu.memory_space<hbm>> -> memref<800xi32, #tpu.memory_space<hbm>>
        tpu.enqueue_dma source(%dma_start3A_29 : memref<800xi32, #tpu.memory_space<hbm>>) target(%arg11 : memref<800xi32, #tpu.memory_space<vmem>>) target_semaphore(%run_scoped3A : memref<!tpu.dma_semaphore, #tpu.memory_space<semaphore_mem>>)
        %dma_wait3A_30 = tpu.memref_slice %arg4[%add3A_11] : memref<204800xi32, #tpu.memory_space<hbm>> -> memref<800xi32, #tpu.memory_space<hbm>>
        %dma_wait3A_31 = tpu.memref_slice %arg4[%add3A_11] : memref<204800xi32, #tpu.memory_space<hbm>> -> memref<800xi32, #tpu.memory_space<hbm>>
        tpu.wait_dma2 semaphore(%run_scoped3A : memref<!tpu.dma_semaphore, #tpu.memory_space<semaphore_mem>>) src(%dma_wait3A_31 : memref<800xi32, #tpu.memory_space<hbm>>) dst(%arg11 : memref<800xi32, #tpu.memory_space<vmem>>)
        tpu.yield
      }) : () -> ()
      %dma_start3A_22 = arith.constant 0 : i32
      %dma_start3A_23 = arith.constant 0 : i32
      %dma_start3A_24 = tpu.memref_slice %arg7[%dma_start3A_22, %dma_start3A_23] : memref<50000x128xf32, #tpu.memory_space<hbm>> -> memref<50000x128xf32, #tpu.memory_space<hbm>>
      tpu.enqueue_indirect_dma source(%dma_start3A_24 : memref<50000x128xf32, #tpu.memory_space<hbm>>) target(%arg12 : memref<800x128xf32, #tpu.memory_space<vmem>>) offsets(%arg11 : memref<800xi32, #tpu.memory_space<vmem>>) semaphore(%arg13 : memref<!tpu.dma_semaphore, #tpu.memory_space<semaphore_mem>>)
      %dma_wait3A_25 = arith.constant 0 : i32
      %dma_wait3A_26 = arith.constant 0 : i32
      %dma_wait3A_27 = tpu.memref_slice %arg7[%dma_wait3A_25, %dma_wait3A_26] : memref<50000x128xf32, #tpu.memory_space<hbm>> -> memref<50000x128xf32, #tpu.memory_space<hbm>>
      tpu.wait_indirect_dma semaphore(%arg13 : memref<!tpu.dma_semaphore, #tpu.memory_space<semaphore_mem>>) src(%dma_wait3A_27 : memref<50000x128xf32, #tpu.memory_space<hbm>>) dst(%arg12 : memref<800x128xf32, #tpu.memory_space<vmem>>)
      "tpu.region"() ({
        %run_scoped3A = tpu.sem_alloc : memref<!tpu.dma_semaphore, #tpu.memory_space<semaphore_mem>>
        %dma_start3A_28 = arith.constant 0 : i32
        %dma_start3A_29 = tpu.memref_slice %arg10[%add3A_11, %dma_start3A_28] : memref<204800x128xf32, #tpu.memory_space<hbm>> -> memref<800x128xf32, #tpu.memory_space<hbm>>
        %dma_start3A_30 = arith.constant 0 : i32
        %dma_start3A_31 = tpu.memref_slice %arg10[%add3A_11, %dma_start3A_30] : memref<204800x128xf32, #tpu.memory_space<hbm>> -> memref<800x128xf32, #tpu.memory_space<hbm>>
        tpu.enqueue_dma source(%arg12 : memref<800x128xf32, #tpu.memory_space<vmem>>) target(%dma_start3A_31 : memref<800x128xf32, #tpu.memory_space<hbm>>) target_semaphore(%run_scoped3A : memref<!tpu.dma_semaphore, #tpu.memory_space<semaphore_mem>>)
        %dma_wait3A_32 = arith.constant 0 : i32
        %dma_wait3A_33 = tpu.memref_slice %arg10[%add3A_11, %dma_wait3A_32] : memref<204800x128xf32, #tpu.memory_space<hbm>> -> memref<800x128xf32, #tpu.memory_space<hbm>>
        %dma_wait3A_34 = arith.constant 0 : i32
        %dma_wait3A_35 = tpu.memref_slice %arg10[%add3A_11, %dma_wait3A_34] : memref<204800x128xf32, #tpu.memory_space<hbm>> -> memref<800x128xf32, #tpu.memory_space<hbm>>
        tpu.wait_dma2 semaphore(%run_scoped3A : memref<!tpu.dma_semaphore, #tpu.memory_space<semaphore_mem>>) src(%arg12 : memref<800x128xf32, #tpu.memory_space<vmem>>) dst(%dma_wait3A_35 : memref<800x128xf32, #tpu.memory_space<hbm>>)
        tpu.yield
      }) : () -> ()
    }
    %scan3A_7 = arith.constant 8 : i32
    return
  }
}

module attributes {stable_mosaic.version = 14 : i64} {
  func.func @_stats_body(%arg0: memref<1024x200xf32, #tpu.memory_space<vmem>>, %arg1: memref<1024x200xf32, #tpu.memory_space<vmem>>, %arg2: memref<1024x1xi32, #tpu.memory_space<vmem>>, %arg3: memref<1x4xf32, #tpu.memory_space<smem>>, %arg4: memref<1x4xf32, #tpu.memory_space<smem>>) attributes {dimension_semantics = [], scalar_prefetch = 0 : i64, scratch_operands = 0 : i64, tpu.core_type = #tpu.core_type<tc>} {
    %get3A = arith.constant 0 : index
    %get3A_0 = arith.constant 0 : index
    %get3A_1 = vector.load %arg2[%get3A, %get3A_0] : memref<1024x1xi32, #tpu.memory_space<vmem>>, vector<1024x1xi32>
    %iota3A = tpu.iota {dimensions = array<i32: 1>} : vector<1024x200xi32>
    %lt3A = vector.broadcast %get3A_1 : vector<1024x1xi32> to vector<1024x200xi32>
    %lt3A_2 = arith.cmpi slt, %iota3A, %lt3A : vector<1024x200xi32>
    %convert_element_type3A = arith.extui %lt3A_2 : vector<1024x200xi1> to vector<1024x200xi32>
    %convert_element_type3A_3 = arith.sitofp %convert_element_type3A : vector<1024x200xi32> to vector<1024x200xf32>
    %reduce_sum3A = vector.shape_cast %convert_element_type3A_3 : vector<1024x200xf32> to vector<1x1024x200xf32>
    %reduce_sum3A_4 = arith.constant dense<0.000000e+00> : vector<1xf32>
    %reduce_sum3A_5 = vector.multi_reduction <add>, %reduce_sum3A, %reduce_sum3A_4 [1, 2] : vector<1x1024x200xf32> to vector<1xf32>
    %reduce_sum3A_6 = vector.shape_cast %reduce_sum3A_5 : vector<1xf32> to vector<1x1x1xf32>
    %reduce_sum3A_7 = vector.extract %reduce_sum3A_6[0, 0, 0] : f32 from vector<1x1x1xf32>
    %max3A = arith.constant 1.000000e+00 : f32
    %max3A_8 = arith.maximumf %reduce_sum3A_7, %max3A : f32
    %get3A_9 = arith.constant 0 : index
    %get3A_10 = arith.constant 0 : index
    %get3A_11 = vector.load %arg0[%get3A_9, %get3A_10] : memref<1024x200xf32, #tpu.memory_space<vmem>>, vector<1024x200xf32>
    %mul3A = arith.mulf %get3A_11, %convert_element_type3A_3 : vector<1024x200xf32>
    %reduce_sum3A_12 = vector.shape_cast %mul3A : vector<1024x200xf32> to vector<1x1024x200xf32>
    %reduce_sum3A_13 = arith.constant dense<0.000000e+00> : vector<1xf32>
    %reduce_sum3A_14 = vector.multi_reduction <add>, %reduce_sum3A_12, %reduce_sum3A_13 [1, 2] : vector<1x1024x200xf32> to vector<1xf32>
    %reduce_sum3A_15 = vector.shape_cast %reduce_sum3A_14 : vector<1xf32> to vector<1x1x1xf32>
    %reduce_sum3A_16 = vector.extract %reduce_sum3A_15[0, 0, 0] : f32 from vector<1x1x1xf32>
    %div3A = arith.divf %reduce_sum3A_16, %max3A_8 : f32
    %sub3A = vector.broadcast %div3A : f32 to vector<1024x200xf32>
    %sub3A_17 = arith.subf %get3A_11, %sub3A : vector<1024x200xf32>
    %integer_pow3A = arith.mulf %sub3A_17, %sub3A_17 : vector<1024x200xf32>
    %mul3A_18 = arith.mulf %integer_pow3A, %convert_element_type3A_3 : vector<1024x200xf32>
    %reduce_sum3A_19 = vector.shape_cast %mul3A_18 : vector<1024x200xf32> to vector<1x1024x200xf32>
    %reduce_sum3A_20 = arith.constant dense<0.000000e+00> : vector<1xf32>
    %reduce_sum3A_21 = vector.multi_reduction <add>, %reduce_sum3A_19, %reduce_sum3A_20 [1, 2] : vector<1x1024x200xf32> to vector<1xf32>
    %reduce_sum3A_22 = vector.shape_cast %reduce_sum3A_21 : vector<1xf32> to vector<1x1x1xf32>
    %reduce_sum3A_23 = vector.extract %reduce_sum3A_22[0, 0, 0] : f32 from vector<1x1x1xf32>
    %div3A_24 = arith.divf %reduce_sum3A_23, %max3A_8 : f32
    %get3A_25 = arith.constant 0 : index
    %get3A_26 = arith.constant 0 : index
    %get3A_27 = memref.load %arg3[%get3A_25, %get3A_26] : memref<1x4xf32, #tpu.memory_space<smem>>
    %get3A_28 = arith.constant 0 : index
    %get3A_29 = arith.constant 1 : index
    %get3A_30 = memref.load %arg3[%get3A_28, %get3A_29] : memref<1x4xf32, #tpu.memory_space<smem>>
    %add3A = arith.constant 9.99999974E-6 : f32
    %add3A_31 = arith.addf %div3A_24, %add3A : f32
    %rsqrt3A = math.rsqrt %add3A_31 : f32
    %mul3A_32 = arith.mulf %get3A_27, %rsqrt3A : f32
    %swap3A = arith.constant 0 : index
    %swap3A_33 = arith.constant 0 : index
    %swap3A_34 = memref.load %arg4[%swap3A, %swap3A_33] : memref<1x4xf32, #tpu.memory_space<smem>>
    memref.store %mul3A_32, %arg4[%swap3A, %swap3A_33] : memref<1x4xf32, #tpu.memory_space<smem>>
    %mul3A_35 = arith.mulf %div3A, %mul3A_32 : f32
    %sub3A_36 = arith.subf %get3A_30, %mul3A_35 : f32
    %swap3A_37 = arith.constant 0 : index
    %swap3A_38 = arith.constant 1 : index
    %swap3A_39 = memref.load %arg4[%swap3A_37, %swap3A_38] : memref<1x4xf32, #tpu.memory_space<smem>>
    memref.store %sub3A_36, %arg4[%swap3A_37, %swap3A_38] : memref<1x4xf32, #tpu.memory_space<smem>>
    %get3A_40 = arith.constant 0 : index
    %get3A_41 = arith.constant 0 : index
    %get3A_42 = vector.load %arg1[%get3A_40, %get3A_41] : memref<1024x200xf32, #tpu.memory_space<vmem>>, vector<1024x200xf32>
    %mul3A_43 = arith.mulf %get3A_42, %convert_element_type3A_3 : vector<1024x200xf32>
    %reduce_sum3A_44 = vector.shape_cast %mul3A_43 : vector<1024x200xf32> to vector<1x1024x200xf32>
    %reduce_sum3A_45 = arith.constant dense<0.000000e+00> : vector<1xf32>
    %reduce_sum3A_46 = vector.multi_reduction <add>, %reduce_sum3A_44, %reduce_sum3A_45 [1, 2] : vector<1x1024x200xf32> to vector<1xf32>
    %reduce_sum3A_47 = vector.shape_cast %reduce_sum3A_46 : vector<1xf32> to vector<1x1x1xf32>
    %reduce_sum3A_48 = vector.extract %reduce_sum3A_47[0, 0, 0] : f32 from vector<1x1x1xf32>
    %div3A_49 = arith.divf %reduce_sum3A_48, %max3A_8 : f32
    %sub3A_50 = vector.broadcast %div3A_49 : f32 to vector<1024x200xf32>
    %sub3A_51 = arith.subf %get3A_42, %sub3A_50 : vector<1024x200xf32>
    %integer_pow3A_52 = arith.mulf %sub3A_51, %sub3A_51 : vector<1024x200xf32>
    %mul3A_53 = arith.mulf %integer_pow3A_52, %convert_element_type3A_3 : vector<1024x200xf32>
    %reduce_sum3A_54 = vector.shape_cast %mul3A_53 : vector<1024x200xf32> to vector<1x1024x200xf32>
    %reduce_sum3A_55 = arith.constant dense<0.000000e+00> : vector<1xf32>
    %reduce_sum3A_56 = vector.multi_reduction <add>, %reduce_sum3A_54, %reduce_sum3A_55 [1, 2] : vector<1x1024x200xf32> to vector<1xf32>
    %reduce_sum3A_57 = vector.shape_cast %reduce_sum3A_56 : vector<1xf32> to vector<1x1x1xf32>
    %reduce_sum3A_58 = vector.extract %reduce_sum3A_57[0, 0, 0] : f32 from vector<1x1x1xf32>
    %div3A_59 = arith.divf %reduce_sum3A_58, %max3A_8 : f32
    %get3A_60 = arith.constant 0 : index
    %get3A_61 = arith.constant 2 : index
    %get3A_62 = memref.load %arg3[%get3A_60, %get3A_61] : memref<1x4xf32, #tpu.memory_space<smem>>
    %get3A_63 = arith.constant 0 : index
    %get3A_64 = arith.constant 3 : index
    %get3A_65 = memref.load %arg3[%get3A_63, %get3A_64] : memref<1x4xf32, #tpu.memory_space<smem>>
    %add3A_66 = arith.constant 9.99999974E-6 : f32
    %add3A_67 = arith.addf %div3A_59, %add3A_66 : f32
    %rsqrt3A_68 = math.rsqrt %add3A_67 : f32
    %mul3A_69 = arith.mulf %get3A_62, %rsqrt3A_68 : f32
    %swap3A_70 = arith.constant 0 : index
    %swap3A_71 = arith.constant 2 : index
    %swap3A_72 = memref.load %arg4[%swap3A_70, %swap3A_71] : memref<1x4xf32, #tpu.memory_space<smem>>
    memref.store %mul3A_69, %arg4[%swap3A_70, %swap3A_71] : memref<1x4xf32, #tpu.memory_space<smem>>
    %mul3A_73 = arith.mulf %div3A_49, %mul3A_69 : f32
    %sub3A_74 = arith.subf %get3A_65, %mul3A_73 : f32
    %swap3A_75 = arith.constant 0 : index
    %swap3A_76 = arith.constant 3 : index
    %swap3A_77 = memref.load %arg4[%swap3A_75, %swap3A_76] : memref<1x4xf32, #tpu.memory_space<smem>>
    memref.store %sub3A_74, %arg4[%swap3A_75, %swap3A_76] : memref<1x4xf32, #tpu.memory_space<smem>>
    return
  }
}

module attributes {stable_mosaic.version = 14 : i64} {
  func.func @_fuse_body(%arg0: i32, %arg1: memref<1600x128xf32, #tpu.memory_space<vmem>>, %arg2: memref<1600x128xf32, #tpu.memory_space<vmem>>, %arg3: memref<1600x128xf32, #tpu.memory_space<vmem>>, %arg4: memref<1600x1xi32, #tpu.memory_space<vmem>>, %arg5: memref<1600x1xi32, #tpu.memory_space<vmem>>, %arg6: memref<1600x1xi32, #tpu.memory_space<vmem>>, %arg7: memref<1600x1xf32, #tpu.memory_space<vmem>>, %arg8: memref<1600x1xf32, #tpu.memory_space<vmem>>, %arg9: memref<1600x1xi32, #tpu.memory_space<vmem>>, %arg10: memref<1x64xf32, #tpu.memory_space<vmem>>, %arg11: memref<1x4xf32, #tpu.memory_space<smem>>, %arg12: memref<1600x224xf32, #tpu.memory_space<vmem>>) attributes {dimension_semantics = [#tpu.dimension_semantics<arbitrary>], iteration_bounds = array<i64: 128>, scalar_prefetch = 0 : i64, scratch_operands = 0 : i64, tpu.core_type = #tpu.core_type<tc>, window_params = [{transform_indices = @transform_0, window_bounds = array<i64: 1600, 128>}, {transform_indices = @transform_1, window_bounds = array<i64: 1600, 128>}, {transform_indices = @transform_2, window_bounds = array<i64: 1600, 128>}, {transform_indices = @transform_3, window_bounds = array<i64: 1600, 1>}, {transform_indices = @transform_4, window_bounds = array<i64: 1600, 1>}, {transform_indices = @transform_5, window_bounds = array<i64: 1600, 1>}, {transform_indices = @transform_6, window_bounds = array<i64: 1600, 1>}, {transform_indices = @transform_7, window_bounds = array<i64: 1600, 1>}, {transform_indices = @transform_8, window_bounds = array<i64: 1600, 1>}, {pipeline_mode = #tpu.pipeline_mode<synchronous>, transform_indices = @transform_9, window_bounds = array<i64: 1, 64>}, {transform_indices = @transform_10, window_bounds = array<i64: 1, 4>}, {transform_indices = @transform_11, window_bounds = array<i64: 1600, 224>}]} {
    %iota3A = tpu.iota {dimensions = array<i32: 0>} : vector<1600x1xi32>
    %jit3A = arith.constant 200 : i32
    %eq3A = arith.constant 0 : i32
    %eq3A_0 = arith.cmpi eq, %jit3A, %eq3A : i32
    %jit3A_1 = arith.constant 1 : i32
    %select_n3A = arith.select %eq3A_0, %jit3A_1, %jit3A : i32
    %rem3A = vector.broadcast %select_n3A : i32 to vector<1600x1xi32>
    %rem3A_2 = arith.remsi %iota3A, %rem3A : vector<1600x1xi32>
    %ne3A = arith.constant 0 : i32
    %ne3A_3 = vector.broadcast %ne3A : i32 to vector<1600x1xi32>
    %ne3A_4 = arith.cmpi ne, %rem3A_2, %ne3A_3 : vector<1600x1xi32>
    %lt3A = arith.constant 0 : i32
    %lt3A_5 = vector.broadcast %lt3A : i32 to vector<1600x1xi32>
    %lt3A_6 = arith.cmpi slt, %rem3A_2, %lt3A_5 : vector<1600x1xi32>
    %lt3A_7 = arith.constant 0 : i32
    %lt3A_8 = arith.cmpi slt, %select_n3A, %lt3A_7 : i32
    %ne3A_9 = vector.broadcast %lt3A_8 : i1 to vector<1600x1xi1>
    %ne3A_10 = vector.broadcast %ne3A_9 : vector<1600x1xi1> to vector<1600x1xi1>
    %ne3A_11 = arith.xori %lt3A_6, %ne3A_10 : vector<1600x1xi1>
    %and3A = arith.andi %ne3A_11, %ne3A_4 : vector<1600x1xi1>
    %add3A = vector.broadcast %select_n3A : i32 to vector<1600x1xi32>
    %add3A_12 = arith.addi %rem3A_2, %add3A : vector<1600x1xi32>
    %select_n3A_13 = arith.select %and3A, %add3A_12, %rem3A_2 : vector<1600x1xi1>, vector<1600x1xi32>
    %get3A = arith.constant 0 : index
    %get3A_14 = arith.constant 0 : index
    %get3A_15 = vector.load %arg9[%get3A, %get3A_14] : memref<1600x1xi32, #tpu.memory_space<vmem>>, vector<1600x1xi32>
    %lt3A_16 = arith.cmpi slt, %select_n3A_13, %get3A_15 : vector<1600x1xi32>
    %get3A_17 = arith.constant 0 : index
    %get3A_18 = arith.constant 0 : index
    %get3A_19 = vector.load %arg10[%get3A_17, %get3A_18] : memref<1x64xf32, #tpu.memory_space<vmem>>, vector<1x64xf32>
    %get3A_20 = arith.constant 0 : index
    %get3A_21 = arith.constant 0 : index
    %get3A_22 = vector.load %arg1[%get3A_20, %get3A_21] : memref<1600x128xf32, #tpu.memory_space<vmem>>, vector<1600x128xf32>
    %get3A_23 = arith.constant 0 : index
    %get3A_24 = arith.constant 0 : index
    %get3A_25 = vector.load %arg4[%get3A_23, %get3A_24] : memref<1600x1xi32, #tpu.memory_space<vmem>>, vector<1600x1xi32>
    %and3A_26 = arith.constant 1 : i32
    %and3A_27 = vector.broadcast %and3A_26 : i32 to vector<1600x1xi32>
    %and3A_28 = arith.andi %get3A_25, %and3A_27 : vector<1600x1xi32>
    %eq3A_29 = arith.constant 1 : i32
    %eq3A_30 = vector.broadcast %eq3A_29 : i32 to vector<1600x1xi32>
    %eq3A_31 = arith.cmpi eq, %and3A_28, %eq3A_30 : vector<1600x1xi32>
    %slice3A = vector.extract_strided_slice %get3A_22 {offsets = [0, 64], sizes = [1600, 64], strides = [1, 1]} : vector<1600x128xf32> to vector<1600x64xf32>
    %slice3A_32 = vector.extract_strided_slice %get3A_22 {offsets = [0, 0], sizes = [1600, 64], strides = [1, 1]} : vector<1600x128xf32> to vector<1600x64xf32>
    %broadcast_in_dim3A = vector.shape_cast %eq3A_31 : vector<1600x1xi1> to vector<1600x1xi1>
    %broadcast_in_dim3A_33 = vector.broadcast %broadcast_in_dim3A : vector<1600x1xi1> to vector<1600x64xi1>
    %select_n3A_34 = arith.select %broadcast_in_dim3A_33, %slice3A, %slice3A_32 : vector<1600x64xi1>, vector<1600x64xf32>
    %get3A_35 = arith.constant 0 : index
    %get3A_36 = arith.constant 0 : index
    %get3A_37 = vector.load %arg2[%get3A_35, %get3A_36] : memref<1600x128xf32, #tpu.memory_space<vmem>>, vector<1600x128xf32>
    %get3A_38 = arith.constant 0 : index
    %get3A_39 = arith.constant 0 : index
    %get3A_40 = vector.load %arg5[%get3A_38, %get3A_39] : memref<1600x1xi32, #tpu.memory_space<vmem>>, vector<1600x1xi32>
    %and3A_41 = arith.constant 1 : i32
    %and3A_42 = vector.broadcast %and3A_41 : i32 to vector<1600x1xi32>
    %and3A_43 = arith.andi %get3A_40, %and3A_42 : vector<1600x1xi32>
    %eq3A_44 = arith.constant 1 : i32
    %eq3A_45 = vector.broadcast %eq3A_44 : i32 to vector<1600x1xi32>
    %eq3A_46 = arith.cmpi eq, %and3A_43, %eq3A_45 : vector<1600x1xi32>
    %slice3A_47 = vector.extract_strided_slice %get3A_37 {offsets = [0, 64], sizes = [1600, 64], strides = [1, 1]} : vector<1600x128xf32> to vector<1600x64xf32>
    %slice3A_48 = vector.extract_strided_slice %get3A_37 {offsets = [0, 0], sizes = [1600, 64], strides = [1, 1]} : vector<1600x128xf32> to vector<1600x64xf32>
    %broadcast_in_dim3A_49 = vector.shape_cast %eq3A_46 : vector<1600x1xi1> to vector<1600x1xi1>
    %broadcast_in_dim3A_50 = vector.broadcast %broadcast_in_dim3A_49 : vector<1600x1xi1> to vector<1600x64xi1>
    %select_n3A_51 = arith.select %broadcast_in_dim3A_50, %slice3A_47, %slice3A_48 : vector<1600x64xi1>, vector<1600x64xf32>
    %get3A_52 = arith.constant 0 : index
    %get3A_53 = arith.constant 0 : index
    %get3A_54 = vector.load %arg3[%get3A_52, %get3A_53] : memref<1600x128xf32, #tpu.memory_space<vmem>>, vector<1600x128xf32>
    %get3A_55 = arith.constant 0 : index
    %get3A_56 = arith.constant 0 : index
    %get3A_57 = vector.load %arg6[%get3A_55, %get3A_56] : memref<1600x1xi32, #tpu.memory_space<vmem>>, vector<1600x1xi32>
    %and3A_58 = arith.constant 1 : i32
    %and3A_59 = vector.broadcast %and3A_58 : i32 to vector<1600x1xi32>
    %and3A_60 = arith.andi %get3A_57, %and3A_59 : vector<1600x1xi32>
    %eq3A_61 = arith.constant 1 : i32
    %eq3A_62 = vector.broadcast %eq3A_61 : i32 to vector<1600x1xi32>
    %eq3A_63 = arith.cmpi eq, %and3A_60, %eq3A_62 : vector<1600x1xi32>
    %slice3A_64 = vector.extract_strided_slice %get3A_54 {offsets = [0, 64], sizes = [1600, 64], strides = [1, 1]} : vector<1600x128xf32> to vector<1600x64xf32>
    %slice3A_65 = vector.extract_strided_slice %get3A_54 {offsets = [0, 0], sizes = [1600, 64], strides = [1, 1]} : vector<1600x128xf32> to vector<1600x64xf32>
    %broadcast_in_dim3A_66 = vector.shape_cast %eq3A_63 : vector<1600x1xi1> to vector<1600x1xi1>
    %broadcast_in_dim3A_67 = vector.broadcast %broadcast_in_dim3A_66 : vector<1600x1xi1> to vector<1600x64xi1>
    %select_n3A_68 = arith.select %broadcast_in_dim3A_67, %slice3A_64, %slice3A_65 : vector<1600x64xi1>, vector<1600x64xf32>
    %get3A_69 = arith.constant 0 : index
    %get3A_70 = arith.constant 0 : index
    %get3A_71 = vector.load %arg7[%get3A_69, %get3A_70] : memref<1600x1xf32, #tpu.memory_space<vmem>>, vector<1600x1xf32>
    %get3A_72 = arith.constant 0 : index
    %get3A_73 = arith.constant 0 : index
    %get3A_74 = memref.load %arg11[%get3A_72, %get3A_73] : memref<1x4xf32, #tpu.memory_space<smem>>
    %mul3A = vector.broadcast %get3A_74 : f32 to vector<1600x1xf32>
    %mul3A_75 = arith.mulf %get3A_71, %mul3A : vector<1600x1xf32>
    %get3A_76 = arith.constant 0 : index
    %get3A_77 = arith.constant 1 : index
    %get3A_78 = memref.load %arg11[%get3A_76, %get3A_77] : memref<1x4xf32, #tpu.memory_space<smem>>
    %add3A_79 = vector.broadcast %get3A_78 : f32 to vector<1600x1xf32>
    %add3A_80 = arith.addf %mul3A_75, %add3A_79 : vector<1600x1xf32>
    %select_n3A_81 = arith.select %lt3A_16, %add3A_80, %get3A_71 : vector<1600x1xi1>, vector<1600x1xf32>
    %slice3A_82 = vector.extract_strided_slice %get3A_19 {offsets = [0, 0], sizes = [1, 16], strides = [1, 1]} : vector<1x64xf32> to vector<1x16xf32>
    %slice3A_83 = vector.extract_strided_slice %get3A_19 {offsets = [0, 16], sizes = [1, 16], strides = [1, 1]} : vector<1x64xf32> to vector<1x16xf32>
    %mul3A_84 = vector.broadcast %select_n3A_81 : vector<1600x1xf32> to vector<1600x16xf32>
    %mul3A_85 = vector.broadcast %slice3A_82 : vector<1x16xf32> to vector<1600x16xf32>
    %mul3A_86 = arith.mulf %mul3A_84, %mul3A_85 : vector<1600x16xf32>
    %add3A_87 = vector.broadcast %slice3A_83 : vector<1x16xf32> to vector<1600x16xf32>
    %add3A_88 = arith.addf %mul3A_86, %add3A_87 : vector<1600x16xf32>
    %get3A_89 = arith.constant 0 : index
    %get3A_90 = arith.constant 0 : index
    %get3A_91 = vector.load %arg8[%get3A_89, %get3A_90] : memref<1600x1xf32, #tpu.memory_space<vmem>>, vector<1600x1xf32>
    %get3A_92 = arith.constant 0 : index
    %get3A_93 = arith.constant 2 : index
    %get3A_94 = memref.load %arg11[%get3A_92, %get3A_93] : memref<1x4xf32, #tpu.memory_space<smem>>
    %mul3A_95 = vector.broadcast %get3A_94 : f32 to vector<1600x1xf32>
    %mul3A_96 = arith.mulf %get3A_91, %mul3A_95 : vector<1600x1xf32>
    %get3A_97 = arith.constant 0 : index
    %get3A_98 = arith.constant 3 : index
    %get3A_99 = memref.load %arg11[%get3A_97, %get3A_98] : memref<1x4xf32, #tpu.memory_space<smem>>
    %add3A_100 = vector.broadcast %get3A_99 : f32 to vector<1600x1xf32>
    %add3A_101 = arith.addf %mul3A_96, %add3A_100 : vector<1600x1xf32>
    %select_n3A_102 = arith.select %lt3A_16, %add3A_101, %get3A_91 : vector<1600x1xi1>, vector<1600x1xf32>
    %slice3A_103 = vector.extract_strided_slice %get3A_19 {offsets = [0, 32], sizes = [1, 16], strides = [1, 1]} : vector<1x64xf32> to vector<1x16xf32>
    %slice3A_104 = vector.extract_strided_slice %get3A_19 {offsets = [0, 48], sizes = [1, 16], strides = [1, 1]} : vector<1x64xf32> to vector<1x16xf32>
    %mul3A_105 = vector.broadcast %select_n3A_102 : vector<1600x1xf32> to vector<1600x16xf32>
    %mul3A_106 = vector.broadcast %slice3A_103 : vector<1x16xf32> to vector<1600x16xf32>
    %mul3A_107 = arith.mulf %mul3A_105, %mul3A_106 : vector<1600x16xf32>
    %add3A_108 = vector.broadcast %slice3A_104 : vector<1x16xf32> to vector<1600x16xf32>
    %add3A_109 = arith.addf %mul3A_107, %add3A_108 : vector<1600x16xf32>
    %concatenate3A = tpu.concatenate %select_n3A_34, %select_n3A_51, %select_n3A_68, %add3A_88, %add3A_109 in 1 : vector<1600x64xf32>, vector<1600x64xf32>, vector<1600x64xf32>, vector<1600x16xf32>, vector<1600x16xf32> -> vector<1600x224xf32>
    %swap3A = arith.constant 0 : index
    %swap3A_110 = arith.constant 0 : index
    %swap3A_111 = vector.load %arg12[%swap3A, %swap3A_110] : memref<1600x224xf32, #tpu.memory_space<vmem>>, vector<1600x224xf32>
    tpu.vector_store %arg12[%swap3A, %swap3A_110], %concatenate3A {strides = array<i32>} : memref<1600x224xf32, #tpu.memory_space<vmem>>, vector<1600x224xf32>,
    return
  }
  func.func @transform_0(%arg0: i32) -> (i32, i32) {
    %c0_i32 = arith.constant 0 : i32
    %c0_i32_0 = arith.constant 0 : i32
    return %arg0, %c0_i32 : i32, i32
  }
  func.func @transform_1(%arg0: i32) -> (i32, i32) {
    %c0_i32 = arith.constant 0 : i32
    %c0_i32_0 = arith.constant 0 : i32
    return %arg0, %c0_i32 : i32, i32
  }
  func.func @transform_2(%arg0: i32) -> (i32, i32) {
    %c0_i32 = arith.constant 0 : i32
    %c0_i32_0 = arith.constant 0 : i32
    return %arg0, %c0_i32 : i32, i32
  }
  func.func @transform_3(%arg0: i32) -> (i32, i32) {
    %c0_i32 = arith.constant 0 : i32
    %c0_i32_0 = arith.constant 0 : i32
    return %arg0, %c0_i32 : i32, i32
  }
  func.func @transform_4(%arg0: i32) -> (i32, i32) {
    %c0_i32 = arith.constant 0 : i32
    %c0_i32_0 = arith.constant 0 : i32
    return %arg0, %c0_i32 : i32, i32
  }
  func.func @transform_5(%arg0: i32) -> (i32, i32) {
    %c0_i32 = arith.constant 0 : i32
    %c0_i32_0 = arith.constant 0 : i32
    return %arg0, %c0_i32 : i32, i32
  }
  func.func @transform_6(%arg0: i32) -> (i32, i32) {
    %c0_i32 = arith.constant 0 : i32
    %c0_i32_0 = arith.constant 0 : i32
    return %arg0, %c0_i32 : i32, i32
  }
  func.func @transform_7(%arg0: i32) -> (i32, i32) {
    %c0_i32 = arith.constant 0 : i32
    %c0_i32_0 = arith.constant 0 : i32
    return %arg0, %c0_i32 : i32, i32
  }
  func.func @transform_8(%arg0: i32) -> (i32, i32) {
    %c0_i32 = arith.constant 0 : i32
    %c0_i32_0 = arith.constant 0 : i32
    return %arg0, %c0_i32 : i32, i32
  }
  func.func @transform_9(%arg0: i32) -> (i32, i32) {
    %c0_i32 = arith.constant 0 : i32
    %c0_i32_0 = arith.constant 0 : i32
    %c0_i32_1 = arith.constant 0 : i32
    return %c0_i32, %c0_i32_0 : i32, i32
  }
  func.func @transform_10(%arg0: i32) -> (i32, i32) {
    %c0_i32 = arith.constant 0 : i32
    %c0_i32_0 = arith.constant 0 : i32
    %c0_i32_1 = arith.constant 0 : i32
    return %c0_i32, %c0_i32_0 : i32, i32
  }
  func.func @transform_11(%arg0: i32) -> (i32, i32) {
    %c0_i32 = arith.constant 0 : i32
    %c0_i32_0 = arith.constant 0 : i32
    return %arg0, %c0_i32 : i32, i32
  }
}

</mosaic_0001>

<sc_bundles>
// kernel: kernel.5.cloned.1.call-start
scs
__scs_entry_jumppad:
0x0: {  	(pc) =	sbr.rel $0x88, $3  }
0x1: {  	(tag) =	ssettag $0x0;
	lr =	simm.s32 $0x1  }
0x2: {  	[smem:$0x3F8F] =	sst lr;
	_ =	strace $0xD0000000  }
0x3: {  	_ = 	snop  }
0x4: {  	_ = 	snop  }
0x5: {  	_ = 	snop  }
0x6: {  	_ = 	snop  }
0x7: {  	_ = 	snop  }
__scs_overlays_trampoline_lowered:
0x8: {  	[smem:$0x3F9E] =	sst s0  }
0x9: {  	[smem:$0x3F9F] =	sst s1  }
0xa: {  	[smem:$0x3FA0] =	sst s2  }
0xb: {  	[smem:$0x3FA1] =	sst s3  }
0xc: {  	[smem:$0x3FA2] =	sst s4  }
0xd: {  	[smem:$0x3FA3] =	sst s5  }
0xe: {  	[smem:$0x3FA4] =	sst s6  }
0xf: {  	[smem:$0x3FA5] =	sst s7  }
0x10: {  	[smem:$0x3FA6] =	sst s8  }
0x11: {  	[smem:$0x3FA7] =	sst s9;
	s0 =	simm.s32 @!p0 $0x0  }
0x12: {  	s1 =	sld [smem:$0x3F8D];
	s0 =	simm.s32 @p0 $0x1  }
0x13: {  	[smem:$0x3FA8] =	sst s0;
	s0 =	simm.s32 @!p1 $0x0  }
0x14: {  	s2 =	sld [smem:$0x3F8C];
	s0 =	simm.s32 @p1 $0x1  }
0x15: {  	[smem:$0x3FA9] =	sst s0;
	s0 =	simm.s32 @!p2 $0x0  }
0x16: {  	s3 =	sld [smem:$0x3FDB];
	s0 =	simm.s32 @p2 $0x1  }
0x17: {  	s4 =	simm.s32 $0x1BF5;
	[smem:$0x3FAB] =	sst s0  }
0x18: {  	s0 =	sld [smem:$0x3F8E];
	_ =	swait.ge [sflag:s4], $0x0  }
0x19: {  	s7 =	sld [smem:$0x3F8F]  }
0x1a: {  	s8 =	sadd.s32 $0xFFFFE003, lr  }
0x1b: {  	s9 =	sadd.s32 $0xFFFFFEF7, lr;
	s5 =	simm.s32 $0xFFFFFFFF;
	p2 =	slt.u32 s8, $0xFFFFF086  }
0x1c: {  	p1 =	slt.u32 s9, $0xF7A;
	s5 =	simm.s32 @!p2 $0x0  }
0x1d: {  	s5 =	simm.s32 @p1 $0x1;
	p0 =	seq.s32 s7, s2  }
0x1e: {  	s7 =	smul.u32 @!p0 $0xF7A, s2;
	p2 =	seq.s32 @!p0 s5, $0x0  }
0x1f: {  	s9 =	smul.u32 $0xF7A, s1;
	s8 =	simm.s32 @!p0 $0x1BF5;
	p2 =	por !p2, p0  }
0x20: {  	[sflag:s8] =	ssyncset.s32 @!p0 $0xFFFFF086;
	s6 =	sadd.s32 @!p0 s3, s7;
	s7 =	simm.s32 @!p0 $0x108  }
0x21: {  	s3 =	sadd.s32 s3, s9;
	s6 =	sadd.s32 @!p0 $0x88, s6;
	s7 =	simm.s32 @p2 $0x1082  }
0x22: {  	[simem:s7], [sflag:s8] =	dma.local @!p0 [hbm:s6], $0xF7A  }
0x23: {  	s9 =	sor.u32 $0xD0000000, s2;
	s6 =	simm.s32 $0x108;
	_ =	swait.ge @!p0 [sflag:s8], $0x0  }
0x24: {  	s3 =	sadd.s32 $0x88, s3;
	s6 =	simm.s32 @!p1 $0x1082;
	[sflag:s4] =	ssyncset.s32 $0xFFFFF086  }
0x25: {  	[simem:s6], [sflag:s4] =	dma.local [hbm:s3], $0xF7A  }
0x26: {  	[smem:$0x3F8F] =	sst s1;
	(tag) =	ssettag s2;
	_ =	strace s9  }
0x27: {  	s1 =	sld [smem:$0x3F9F]  }
0x28: {  	s2 =	sld [smem:$0x3FA0]  }
0x29: {  	s4 =	sld [smem:$0x3FA2]  }
0x2a: {  	p0 =	seq.s32 s5, $0x0;
	s5 =	sld [smem:$0x3FA3]  }
0x2b: {  	s6 =	sld [smem:$0x3FA4]  }
0x2c: {  	s7 =	sld [smem:$0x3FA5]  }
0x2d: {  	s3 =	simm.s32 $0x108;
	s8 =	sld [smem:$0x3FA6]  }
0x2e: {  	s3 =	simm.s32 @!p0 $0x1082;
	s9 =	sld [smem:$0x3FA7]  }
0x2f: {  	lr =	sadd.s32 s0, s3;
	s0 =	sld [smem:$0x3F9E]  }
0x30: {  	s3 =	sld [smem:$0x3FA1]  }
0x31: {  	[smem:$0x3FAA] =	sst s10  }
0x32: {  	s10 =	sld [smem:$0x3FA8];
	_ =	sdelay $0x3  }
0x33: {  	p0 =	seq.s32 s10, $0x1;
	s10 =	sld [smem:$0x3FAA];
	_ =	sdelay $0x3  }
0x34: {  	[smem:$0x3FAA] =	sst s10  }
0x35: {  	s10 =	sld [smem:$0x3FA9];
	_ =	sdelay $0x3  }
0x36: {  	p1 =	seq.s32 s10, $0x1;
	s10 =	sld [smem:$0x3FAA];
	_ =	sdelay $0x3  }
0x37: {  	[smem:$0x3FAA] =	sst s10  }
0x38: {  	s10 =	sld [smem:$0x3FAB]  }
0x39: {  	_ = 	snop;
	(pc) =	sbr.ind lr, $3  }
0x3a: {  	_ = 	snop  }
0x3b: {  	_ = 	snop  }
0x3c: {  	p2 =	seq.s32 s10, $0x1;
	s10 =	sld [smem:$0x3FAA]  }
0x3d: {  	_ =	shalt  }
0x3e: {  	_ =	shalt  }
0x3f: {  	_ =	shalt  }
0x40: {  	_ =	shalt  }
0x41: {  	_ =	shalt  }
0x42: {  	_ =	shalt  }
0x43: {  	_ =	shalt  }
0x44: {  	_ =	shalt  }
0x45: {  	_ =	shalt  }
0x46: {  	_ =	shalt  }
0x47: {  	_ =	shalt  }
0x48: {  	_ =	shalt  }
0x49: {  	_ =	shalt  }
0x4a: {  	_ =	shalt  }
0x4b: {  	_ =	shalt  }
0x4c: {  	_ =	shalt  }
0x4d: {  	_ =	shalt  }
0x4e: {  	_ =	shalt  }
0x4f: {  	_ =	shalt  }
0x50: {  	_ =	shalt  }
0x51: {  	_ =	shalt  }
0x52: {  	_ =	shalt  }
0x53: {  	_ =	shalt  }
0x54: {  	_ =	shalt  }
0x55: {  	_ =	shalt  }
0x56: {  	_ =	shalt  }
0x57: {  	_ =	shalt  }
0x58: {  	_ =	shalt  }
0x59: {  	_ =	shalt  }
0x5a: {  	_ =	shalt  }
0x5b: {  	_ =	shalt  }
0x5c: {  	_ =	shalt  }
0x5d: {  	_ =	shalt  }
0x5e: {  	_ =	shalt  }
0x5f: {  	_ =	shalt  }
0x60: {  	_ =	shalt  }
0x61: {  	_ =	shalt  }
0x62: {  	_ =	shalt  }
0x63: {  	_ =	shalt  }
0x64: {  	_ =	shalt  }
0x65: {  	_ =	shalt  }
0x66: {  	_ =	shalt  }
0x67: {  	_ =	shalt  }
0x68: {  	_ =	shalt  }
0x69: {  	_ =	shalt  }
0x6a: {  	_ =	shalt  }
0x6b: {  	_ =	shalt  }
0x6c: {  	_ =	shalt  }
0x6d: {  	_ =	shalt  }
0x6e: {  	_ =	shalt  }
0x6f: {  	_ =	shalt  }
0x70: {  	_ =	shalt  }
0x71: {  	_ =	shalt  }
0x72: {  	_ =	shalt  }
0x73: {  	_ =	shalt  }
0x74: {  	_ =	shalt  }
0x75: {  	_ =	shalt  }
0x76: {  	_ =	shalt  }
0x77: {  	_ =	shalt  }
0x78: {  	_ =	shalt  }
0x79: {  	_ =	shalt  }
0x7a: {  	_ =	shalt  }
0x7b: {  	_ =	shalt  }
0x7c: {  	_ =	shalt  }
0x7d: {  	_ =	shalt  }
0x7e: {  	_ =	shalt  }
0x7f: {  	_ =	shalt  }
0x80: {  	_ =	shalt  }
0x81: {  	_ =	shalt  }
0x82: {  	_ =	shalt  }
0x83: {  	_ =	shalt  }
0x84: {  	_ =	shalt  }
0x85: {  	_ =	shalt  }
0x86: {  	_ =	shalt  }
0x87: {  	_ =	shalt  }
.Lfunc_end0:
.L_simem_size_0:
called_computation.1_lowered:
.L_overlay_start_0:
0x88: {  	s2 =	sld [smem:$0x3FD9]  }
0x89: {  	s3 =	sld [smem:$0x3FFE];
	_ =	sdelay $0x1  }
0x8a: {  	s1 =	srdreg.scid  }
0x8b: {  	s0 =	sand.u32 $0x1, s1  }
0x8c: {  	s14 =	sshll.u32 s0, $0xA;
	s2 =	sadd.s32 s3, s2  }
0x8d: {  	s2 =	sadd.s32 s2, s14  }
0x8e: {  	[smem:$0x3FB6] =	sst s2  }
0x8f: {  	_ = 	snop  }
0x90: {  	s2 =	sld [smem:$0x3FD0];
	_ =	sdelay $0x2  }
0x91: {  	s15 =	simm.s32 $0xA;
	s4 =	simm.s32 $0x10  }
0x92: {  	[smem:s4], [sflag:s15] =	dma.local [hbm:s2], $0x1  }
0x93: {  	_ =	swait.eq [sflag:s15], $0x1  }
0x94: {  	[sflag:s15] =	ssyncset.done $0x0  }
0x95: {  	[sflag:s15] =	ssyncadd.s32 $0xFFFFFFFF  }
0x96: {  	s16 =	sld [smem:$0x11];
	(tm) =	ssettm $0x1  }
0x97: {  	s17 =	sld [smem:$0x3FFB];
	_ =	sdelay $0x3  }
0x98: {  	_ =	strace s17  }
0x99: {  	s3 =	sld [smem:$0x3FFC];
	_ =	sdelay $0x3  }
0x9a: {  	_ =	strace s3  }
0x9b: {  	s3 =	sld [smem:$0x3FFD];
	_ =	sdelay $0x3  }
0x9c: {  	_ =	strace s3  }
0x9d: {  	_ =	strace $0x8FFFFFFF  }
0x9e: {  	s18 =	sld [smem:$0x3FDB];
	_ =	sdelay $0x1  }
0x9f: {  	s19 =	simm.s32 $_scs_section_size  }
0xa0: {  	s5 =	simm.s32 $_size__tile_overlayer_lowered;
	s6 =	simm.s32 $_tile_overlayer_lowered  }
0xa1: {  	s22 =	simm.s32 $0x1BFF;
	s21 =	sshll.u32 s6, $0x1;
	s3 =	sadd.s32 s19, s18  }
0xa2: {  	s7 =	simm.s32 $0x0;
	s20 =	sshll.u32 s5, $0x1;
	s5 =	sadd.s32 s21, s3  }
0xa3: {  	[timem:s7], [sflag:s22] =	dma.local [hbm:s5], s20  }
0xa4: {  	_ =	swait.ge [sflag:s22], s20  }
0xa5: {  	s4 =	ssub.s32 $0x0, s20;
	[sflag:s22] =	ssyncset.done $0x0  }
0xa6: {  	[sflag:s22] =	ssyncadd.s32 s4;
	_ =	sdelay $0x1  }
0xa7: {  	s23 =	simm.s32 $0x1B8B  }
0xa8: {  	_ =	swait.ge [sflag:s23], $0x1  }
0xa9: {  	[sflag:s23] =	ssyncset.done $0x0  }
0xaa: {  	s25 =	simm.s32 $0x1B8E;
	s24 =	sld [smem:$0x3FFE];
	[sflag:s23] =	ssyncadd.s32 $0xFFFFFFFF  }
0xab: {  	s26 =	simm.s32 $execute0_lowered;
	[smem:$0x3FD2] =	sst s25  }
0xac: {  	s5 =	sshll.u32 s26, $0x1;
	_ =	strace $0x80000046;
	[dreg:$0x1] =	wrdreg $0xFFFFFFFF  }
0xad: {  	s28 =	simm.s32 $_size_execute0_lowered;
	s3 =	sadd.s32 s3, s5;
	[dreg:$0x0] =	wrdreg $0x0  }
0xae: {  	s5 =	sshll.u32 s28, $0x1;
	[dreg:$0x2] =	wrdreg s3  }
0xaf: {  	[dreg:$0x3] =	wrdreg s5  }
0xb0: {  	[dreg:$0x4] =	wrdreg $0xC0  }
0xb1: {  	_ =	task [dreg:s7], $0x5FFFF  }
0xb2: {  	[dreg:$0x1] =	wrdreg $0xFFFFFFFF  }
0xb3: {  	[dreg:$0x0] =	wrdreg $0x60  }
0xb4: {  	[dreg:$0x2] =	wrdreg s16  }
0xb5: {  	[dreg:$0x3] =	wrdreg s24  }
0xb6: {  	[dreg:$0x4] =	wrdreg $0x9  }
0xb7: {  	_ =	task.clear_ibuf [dreg:s7], $0x5FFFF;
	_ =	strace $0x90000046  }
0xb8: {  	s29 =	simm.s32 $0x9;
	_ =	strace $0x80000048  }
0xb9: {  	_ =	swait.ge [sflag:s29], $0x1  }
0xba: {  	[sflag:s29] =	ssyncadd.s32 $0xFFFFFFFF  }
0xbb: {  	_ =	strace $0x90000048  }
0xbc: {  	_ =	sfence  }
0xbd: {  	s30 =	sld [smem:$0x0];
	_ =	sdelay $0x2  }
0xbe: {  	s31 =	sshll.u32 s1, $0xD;
	s1 =	sshrl.u32 s1, $0x2  }
0xbf: {  	s3 =	sand.u32 $0x4000, s31;
	s1 =	sadd.s32 s1, s30  }
0xc0: {  	s0 =	sor.u32 s3, s0;
	s1 =	sshll.u32 s1, $0x11  }
0xc1: {  	s0 =	sor.u32 s1, s0  }
0xc2: {  	s0 =	sadd.s32 $0x8F2B, s0  }
0xc3: {  	[sflag:s0] =	ssyncadd.remote.s32 $0x1  }
0xc4: {  	_ =	sfence.sel $0xFFFF  }
0xc5: {  	[dreg:$0x0] =	wrdreg $0xFFFFFFFF;
	(pc) =	sbr.abs _section_cstart, $3  }
0xc6: {  	[dreg:$0x1] =	wrdreg $0xFFFFFFFF  }
0xc7: {  	_ =	task.clear_ibuf [dreg:s7], $0x2FFFF;
	_ =	strace $0x9FFFFFFF  }
0xc8: {  	(tm) =	ssettm $0x7FFFFFFF  }
0xc9: {  	_ =	shalt  }
tec
execute0_lowered:
.L_overlay_start_1:
0x0: {  	(tag) =	ssettag $0x1  }
0x1: {  	s1 =	srdreg.scid  }
0x2: {  	s0 =	stileid.u32;
	s12 =	rddreg [dreg:$0x0]  }
0x3: {  	s6 =	rddreg [dreg:$0x1];
	s2 =	simm.s32 $0x0;
	s14 =	simm.s32 $0x320  }
0x4: {  	s15 =	simm.s32 $0x380;
	s16 =	simm.s32 $0x1;
	s3 =	smul.u32 $0x3200, s0  }
0x5: {  	s5 =	sand.u32 $0x1, s1;
	s1 =	rddreg [dreg:$0x2];
	s30 =	smul.u32 $0x32000, s0  }
0x6: {  	s17 =	simm.s32 $0x0;
	[smem:$0x7FF] =	sst s2;
	s4 =	smul.u32 $0x1900, s5  }
0x7: {  	_ =	strace $0x80000047;
	s7 =	smul.u32 $0x19000, s5;
	s9 =	ssub.s32 $0x2, s5  }
0x8: {  	s5 =	sadd.s32 $0x18AC00, s6;
	s8 =	sadd.s32 s30, s6;
	s31 =	sshrl.u32 s9, $0x1  }
0x9: {  	s3 =	sadd.s32 s4, s3;
	s4 =	sadd.s32 $0xC7600, s6;
	s8 =	sadd.s32 s7, s8  }
0xa: {  	s9 =	ssub.s32 s9, s31;
	s13 =	sshrl.u32 s3, $0x3;
	s3 =	sadd.s32 $0x4000, s6  }
0xb: {  	s7 =	sadd.s32 $0x57AA00, s8;
	s9 =	smax.u32 s9, $0x1;
	s11 =	sadd.s32 s13, s6  }
0xc: {  	s6 =	sadd.s32 $0x25AA00, s8;
	s8 =	sadd.s32 $0x89AA00, s8;
	s12 =	sadd.s32 s13, s12  }
0xd: {  	s13 =	simm.s32 $0x2;
	s10 =	sadd.s32 $0x254600, s11;
	s11 =	sadd.s32 $0x24E200, s11  }
.LBB2_1:
0xe: {  	[tilespmem:s2], [sflag:$0x2] =	stream.linear.gather [hbm4b:s12+s2], $0x320, $0x38;
	[tilespmem:$0x19380] =	vst v63  }
0xf: {  	_ =	swait.ge [sflag:s13], $0x320  }
0x10: {  	[sflag:s13] =	ssyncset.done $0x0  }
0x11: {  	[sflag:s13] =	ssyncadd.s32 $0xFFFFFCE0  }
0x12: {  	[tilespmem:s15], [sflag:$0x1] =	stream.indirect.gather [hbm4b:s3+s14], $0x80, s2, s14, $0xb8;
	[tilespmem:$0x19380] =	vst v63  }
0x13: {  	_ =	swait.ge [sflag:s16], $0x19000  }
0x14: {  	[sflag:s16] =	ssyncset.done $0x0  }
0x15: {  	s18 =	sadd.s32 $0x0, s6;
	[sflag:s16] =	ssyncadd.s32 $0xFFFE7000  }
0x16: {  	[hbm4b:s18+s2] =	stream.linear.scatter [tilespmem:s15], [sflag:$0x2], $0x19000, $0x38;
	[tilespmem:$0x19380] =	vst v63  }
0x17: {  	_ =	swait.ge [sflag:s13], $0x19000  }
0x18: {  	[sflag:s13] =	ssyncset.done $0x0  }
0x19: {  	[sflag:s13] =	ssyncadd.s32 $0xFFFE7000  }
0x1a: {  	[tilespmem:s2], [sflag:$0x2] =	stream.linear.gather [hbm4b:s11+s2], $0x320, $0x38;
	[tilespmem:$0x19380] =	vst v63  }
0x1b: {  	_ =	swait.ge [sflag:s13], $0x320  }
0x1c: {  	[sflag:s13] =	ssyncset.done $0x0  }
0x1d: {  	[sflag:s13] =	ssyncadd.s32 $0xFFFFFCE0  }
0x1e: {  	[tilespmem:s15], [sflag:$0x1] =	stream.indirect.gather [hbm4b:s4+s14], $0x80, s2, s14, $0xb8;
	[tilespmem:$0x19380] =	vst v63  }
0x1f: {  	_ =	swait.ge [sflag:s16], $0x19000  }
0x20: {  	[sflag:s16] =	ssyncset.done $0x0  }
0x21: {  	s30 =	sadd.s32 $0x0, s7;
	[sflag:s16] =	ssyncadd.s32 $0xFFFE7000  }
0x22: {  	[hbm4b:s30+s2] =	stream.linear.scatter [tilespmem:s15], [sflag:$0x2], $0x19000, $0x38;
	[tilespmem:$0x19380] =	vst v63  }
0x23: {  	_ =	swait.ge [sflag:s13], $0x19000  }
0x24: {  	[sflag:s13] =	ssyncset.done $0x0  }
0x25: {  	[sflag:s13] =	ssyncadd.s32 $0xFFFE7000  }
0x26: {  	[tilespmem:s2], [sflag:$0x2] =	stream.linear.gather [hbm4b:s10+s2], $0x320, $0x38;
	[tilespmem:$0x19380] =	vst v63  }
0x27: {  	_ =	swait.ge [sflag:s13], $0x320  }
0x28: {  	[sflag:s13] =	ssyncset.done $0x0  }
0x29: {  	[sflag:s13] =	ssyncadd.s32 $0xFFFFFCE0  }
0x2a: {  	[tilespmem:s15], [sflag:$0x1] =	stream.indirect.gather [hbm4b:s5+s14], $0x80, s2, s14, $0xb8;
	[tilespmem:$0x19380] =	vst v63  }
0x2b: {  	_ =	swait.ge [sflag:s16], $0x19000  }
0x2c: {  	[sflag:s16] =	ssyncset.done $0x0  }
0x2d: {  	s31 =	sadd.s32 $0x0, s8;
	[sflag:s16] =	ssyncadd.s32 $0xFFFE7000  }
0x2e: {  	[hbm4b:s31+s2] =	stream.linear.scatter [tilespmem:s15], [sflag:$0x2], $0x19000, $0x38;
	[tilespmem:$0x19380] =	vst v63  }
0x2f: {  	s19 =	sadd.s32 $0x64, s12;
	s20 =	smov.u32 s10;
	_ =	swait.ge [sflag:s13], $0x19000  }
0x30: {  	s21 =	smov.u32 s11;
	s18 =	simm.s32 $0x3200;
	[sflag:s13] =	ssyncset.done $0x0  }
.LBB2_2:
0x31: {  	[sflag:s13] =	ssyncadd.s32 $0xFFFE7000  }
0x32: {  	s20 =	sadd.s32 $0x64, s20;
	s21 =	sadd.s32 $0x64, s21;
	s22 =	smov.u32 s18  }
0x33: {  	[tilespmem:s2], [sflag:$0x2] =	stream.linear.gather [hbm4b:s19+s2], $0x320, $0x38;
	[tilespmem:$0x19380] =	vst v63  }
0x34: {  	p0 =	sne.s32 s18, $0x15E00;
	s18 =	sadd.s32 $0x3200, s18;
	_ =	swait.ge [sflag:s13], $0x320  }
0x35: {  	[sflag:s13] =	ssyncset.done $0x0  }
0x36: {  	[sflag:s13] =	ssyncadd.s32 $0xFFFFFCE0  }
0x37: {  	[tilespmem:s15], [sflag:$0x1] =	stream.indirect.gather [hbm4b:s3+s14], $0x80, s2, s14, $0xb8;
	[tilespmem:$0x19380] =	vst v63  }
0x38: {  	_ =	swait.ge [sflag:s16], $0x19000  }
0x39: {  	[sflag:s16] =	ssyncset.done $0x0  }
0x3a: {  	s23 =	sadd.s32 s22, s6;
	[sflag:s16] =	ssyncadd.s32 $0xFFFE7000  }
0x3b: {  	[hbm4b:s23+s2] =	stream.linear.scatter [tilespmem:s15], [sflag:$0x2], $0x19000, $0x38;
	[tilespmem:$0x19380] =	vst v63  }
0x3c: {  	_ =	swait.ge [sflag:s13], $0x19000  }
0x3d: {  	[sflag:s13] =	ssyncset.done $0x0  }
0x3e: {  	[sflag:s13] =	ssyncadd.s32 $0xFFFE7000  }
0x3f: {  	[tilespmem:s2], [sflag:$0x2] =	stream.linear.gather [hbm4b:s21+s2], $0x320, $0x38;
	[tilespmem:$0x19380] =	vst v63  }
0x40: {  	_ =	swait.ge [sflag:s13], $0x320  }
0x41: {  	[sflag:s13] =	ssyncset.done $0x0  }
0x42: {  	[sflag:s13] =	ssyncadd.s32 $0xFFFFFCE0  }
0x43: {  	[tilespmem:s15], [sflag:$0x1] =	stream.indirect.gather [hbm4b:s4+s14], $0x80, s2, s14, $0xb8;
	[tilespmem:$0x19380] =	vst v63  }
0x44: {  	_ =	swait.ge [sflag:s16], $0x19000  }
0x45: {  	[sflag:s16] =	ssyncset.done $0x0  }
0x46: {  	s23 =	sadd.s32 s22, s7;
	[sflag:s16] =	ssyncadd.s32 $0xFFFE7000  }
0x47: {  	[hbm4b:s23+s2] =	stream.linear.scatter [tilespmem:s15], [sflag:$0x2], $0x19000, $0x38;
	[tilespmem:$0x19380] =	vst v63  }
0x48: {  	_ =	swait.ge [sflag:s13], $0x19000  }
0x49: {  	[sflag:s13] =	ssyncset.done $0x0  }
0x4a: {  	[sflag:s13] =	ssyncadd.s32 $0xFFFE7000  }
0x4b: {  	[tilespmem:s2], [sflag:$0x2] =	stream.linear.gather [hbm4b:s20+s2], $0x320, $0x38;
	[tilespmem:$0x19380] =	vst v63  }
0x4c: {  	_ =	swait.ge [sflag:s13], $0x320  }
0x4d: {  	[sflag:s13] =	ssyncset.done $0x0  }
0x4e: {  	[sflag:s13] =	ssyncadd.s32 $0xFFFFFCE0  }
0x4f: {  	[tilespmem:s15], [sflag:$0x1] =	stream.indirect.gather [hbm4b:s5+s14], $0x80, s2, s14, $0xb8;
	[tilespmem:$0x19380] =	vst v63  }
0x50: {  	_ =	swait.ge [sflag:s16], $0x19000  }
.Ltmp0:
0x51: {  	[sflag:s16] =	ssyncset.done $0x0;
	(pc) =	sbr.rel @p0 .LBB2_2-.Ltmp0, $4  }
0x52: {  	s22 =	sadd.s32 s22, s8;
	[sflag:s16] =	ssyncadd.s32 $0xFFFE7000  }
0x53: {  	[hbm4b:s22+s2] =	stream.linear.scatter [tilespmem:s15], [sflag:$0x2], $0x19000, $0x38;
	[tilespmem:$0x19380] =	vst v63  }
0x54: {  	_ =	swait.ge [sflag:s13], $0x19000  }
0x55: {  	s19 =	sadd.s32 $0x64, s19;
	[sflag:s13] =	ssyncset.done $0x0  }
0x56: {  	s17 =	sadd.s32 $0x1, s17  }
0x57: {  	p0 =	sne.s32 s17, s9  }
.Ltmp1:
0x58: {  	_ = 	snop;
	(pc) =	sbr.rel @p0 .LBB2_1-.Ltmp1, $2  }
0x59: {  	_ =	sdelay $0x2  }
0x5a: {  	[sflag:s13] =	ssyncadd.s32 $0xFFFE7000  }
0x5b: {  	_ =	sfence.sel $0x180000  }
0x5c: {  	[bflag:$0x0] =	sbarrier.arrive $0xFFFF  }
0x5d: {  	p0 =	sne.s32 s0, $0x0;
	_ =	strace $0x90000047  }
0x5e: {  	s0 =	sadd.s32 @!p0 $0x100000, s1;
	[bflag:$0x2] =	sbarrier.arrive $0xFFFF  }
0x5f: {  	[sflag:s0] =	ssyncadd.tile.s32 @!p0 $0x1;
	_ =	shalt  }
.Lfunc_end2:
_tile_overlayer_lowered:
.L_overlay_start_2:
0x60: {  	(tag) =	ssettag $0x2  }
0x61: {  	s0 =	rddreg [dreg:$0x0];
	s2 =	stileid.u32  }
0x62: {  	s1 =	rddreg [dreg:$0x1];
	p0 =	sne.s32 s2, $0x0  }
0x63: {  	s3 =	rddreg [dreg:$0x2];
	[bflag:$0x3] =	sbarrier.arrive $0xFFFF;
	s2 =	simm.s32 @!p0 $0x1C02  }
0x64: {  	[timem:s3], [sflag:s2] =	dma.local @!p0 [hbm:s0], s1  }
0x65: {  	s0 =	simm.s32 @!p0 $0x2  }
0x66: {  	_ =	swait.ge @!p0 [sflag:s0], s1  }
0x67: {  	s1 =	ssub.s32 @!p0 $0x0, s1;
	[sflag:s0] =	ssyncset.done @!p0 $0x0  }
0x68: {  	[sflag:s0] =	ssyncadd.s32 @!p0 s1  }
0x69: {  	[bflag:$0x3] =	sbarrier.arrive $0xFFFF  }
0x6a: {  	_ =	shalt  }

// kernel: sparse-core-data-format-call.cloned.1.call-start
scs
called_computation_lowered:
.L_overlay_start_0:
0x0: {  	s2 =	sld [smem:$0x3FD9]  }
0x1: {  	s3 =	sld [smem:$0x3FFE];
	_ =	sdelay $0x1  }
0x2: {  	s1 =	srdreg.scid  }
0x3: {  	s0 =	sand.u32 $0x1, s1  }
0x4: {  	s15 =	sshll.u32 s0, $0xA;
	s2 =	sadd.s32 s3, s2  }
0x5: {  	s2 =	sadd.s32 s2, s15  }
0x6: {  	[smem:$0x3FB6] =	sst s2  }
0x7: {  	_ = 	snop  }
0x8: {  	s2 =	sld [smem:$0x3FD0];
	_ =	sdelay $0x2  }
0x9: {  	s16 =	simm.s32 $0xA;
	s4 =	simm.s32 $0x10  }
0xa: {  	[smem:s4], [sflag:s16] =	dma.local [hbm:s2], $0x1  }
0xb: {  	_ =	swait.eq [sflag:s16], $0x1  }
0xc: {  	[sflag:s16] =	ssyncset.done $0x0  }
0xd: {  	[sflag:s16] =	ssyncadd.s32 $0xFFFFFFFF  }
0xe: {  	s17 =	sld [smem:$0x10];
	(tm) =	ssettm $0x1  }
0xf: {  	s18 =	sld [smem:$0x3FFB];
	_ =	sdelay $0x3  }
0x10: {  	_ =	strace s18  }
0x11: {  	s3 =	sld [smem:$0x3FFC];
	_ =	sdelay $0x3  }
0x12: {  	_ =	strace s3  }
0x13: {  	s3 =	sld [smem:$0x3FFD];
	_ =	sdelay $0x3  }
0x14: {  	_ =	strace s3  }
0x15: {  	_ =	strace $0x8FFFFFFF  }
0x16: {  	s19 =	sld [smem:$0x3FDB];
	_ =	sdelay $0x1  }
0x17: {  	s20 =	simm.s32 $_scs_section_size  }
0x18: {  	s5 =	simm.s32 $_size__tile_overlayer_lowered;
	s6 =	simm.s32 $_tile_overlayer_lowered  }
0x19: {  	s23 =	simm.s32 $0x1BFF;
	s22 =	sshll.u32 s6, $0x1;
	s3 =	sadd.s32 s20, s19  }
0x1a: {  	s7 =	simm.s32 $0x0;
	s21 =	sshll.u32 s5, $0x1;
	s5 =	sadd.s32 s22, s3  }
0x1b: {  	[timem:s7], [sflag:s23] =	dma.local [hbm:s5], s21  }
0x1c: {  	_ =	swait.ge [sflag:s23], s21  }
0x1d: {  	s4 =	ssub.s32 $0x0, s21;
	[sflag:s23] =	ssyncset.done $0x0  }
0x1e: {  	[sflag:s23] =	ssyncadd.s32 s4;
	_ =	sdelay $0x1  }
0x1f: {  	s24 =	simm.s32 $0x1B8B  }
0x20: {  	_ =	swait.ge [sflag:s24], $0x1  }
0x21: {  	[sflag:s24] =	ssyncset.done $0x0  }
0x22: {  	s26 =	simm.s32 $0x1B8E;
	s25 =	sld [smem:$0x3FFE];
	[sflag:s24] =	ssyncadd.s32 $0xFFFFFFFF  }
0x23: {  	s27 =	simm.s32 $execute0_lowered;
	[smem:$0x3FD2] =	sst s26  }
0x24: {  	s5 =	sshll.u32 s27, $0x1;
	_ =	strace $0x80000049;
	[dreg:$0x1] =	wrdreg $0xFFFFFFFF  }
0x25: {  	s28 =	simm.s32 $_size_execute0_lowered;
	s3 =	sadd.s32 s3, s5;
	[dreg:$0x0] =	wrdreg $0x0  }
0x26: {  	s5 =	sshll.u32 s28, $0x1;
	[dreg:$0x2] =	wrdreg s3  }
0x27: {  	[dreg:$0x3] =	wrdreg s5  }
0x28: {  	[dreg:$0x4] =	wrdreg $0xC0  }
0x29: {  	_ =	task [dreg:s7], $0x5FFFF  }
0x2a: {  	[dreg:$0x1] =	wrdreg $0xFFFFFFFF  }
0x2b: {  	[dreg:$0x0] =	wrdreg $0x60  }
0x2c: {  	[dreg:$0x2] =	wrdreg s25  }
0x2d: {  	[dreg:$0x3] =	wrdreg s17  }
0x2e: {  	[dreg:$0x4] =	wrdreg $0x9  }
0x2f: {  	_ =	task.clear_ibuf [dreg:s7], $0x5FFFF;
	_ =	strace $0x90000049  }
0x30: {  	s29 =	simm.s32 $0x9;
	_ =	strace $0x8000004B  }
0x31: {  	_ =	swait.ge [sflag:s29], $0x1  }
0x32: {  	[sflag:s29] =	ssyncadd.s32 $0xFFFFFFFF  }
0x33: {  	_ =	strace $0x9000004B  }
0x34: {  	_ =	sfence  }
0x35: {  	s30 =	sld [smem:$0x0];
	_ =	sdelay $0x2  }
0x36: {  	s31 =	sshll.u32 s1, $0xD;
	s1 =	sshrl.u32 s1, $0x2  }
0x37: {  	s3 =	sand.u32 $0x4000, s31;
	s1 =	sadd.s32 s1, s30  }
0x38: {  	s0 =	sor.u32 s3, s0;
	s1 =	sshll.u32 s1, $0x11  }
0x39: {  	s0 =	sor.u32 s1, s0  }
0x3a: {  	s0 =	sadd.s32 $0x8F2B, s0  }
0x3b: {  	[sflag:s0] =	ssyncadd.remote.s32 $0x1  }
0x3c: {  	_ =	sfence.sel $0xFFFF  }
0x3d: {  	[dreg:$0x0] =	wrdreg $0xFFFFFFFF;
	(pc) =	sbr.abs _section_cstart, $3  }
0x3e: {  	[dreg:$0x1] =	wrdreg $0xFFFFFFFF  }
0x3f: {  	_ =	task.clear_ibuf [dreg:s7], $0x2FFFF;
	_ =	strace $0x9FFFFFFF  }
0x40: {  	(tm) =	ssettm $0x7FFFFFFF  }
0x41: {  	_ =	shalt  }
tec
execute0_lowered:
.L_overlay_start_1:
0x0: {  	(tag) =	ssettag $0x1  }
0x1: {  	s4 =	rddreg [dreg:$0x0]  }
0x2: {  	s2 =	rddreg [dreg:$0x1];
	s1 =	stileid.u32  }
0x3: {  	s0 =	rddreg [dreg:$0x2];
	_ =	strace $0x8000004A;
	s10 =	srdreg.scid  }
0x4: {  	s31 =	simm.s32 $0x2;
	s18 =	simm.s32 $0x0;
	s11 =	simm.s32 $0x2000  }
0x5: {  	s19 =	simm.s32 $0x0;
	s20 =	simm.s32 $0x0;
	s12 =	simm.s32 $0x0  }
0x6: {  	s13 =	simm.s32 $0x0;
	s14 =	simm.s32 $0x0;
	s3 =	sshll.u32 s1, $0x7  }
0x7: {  	s17 =	simm.s32 $0x0;
	s4 =	sadd.s32 $0x1B5F200, s4;
	s3 =	sand.u32 $0x380, s3  }
0x8: {  	s5 =	sshrl.u32 s1, $0x3;
	s30 =	sshll.u32 s10, $0x7;
	s6 =	ssub.s32 $0x400, s3  }
0x9: {  	s8 =	ssub.s32 $0xC8, s5;
	s7 =	sshrl.u32 s6, $0xA;
	s6 =	sand.u32 $0x380, s6  }
0xa: {  	s9 =	sshrl.u32 s8, $0x1;
	p0 =	sne.s32 s6, $0x0;
	s6 =	simm.s32 $0x1  }
.Ltmp0:
0xb: {  	s8 =	sand.u32 $0x1, s8;
	s6 =	simm.s32 @!p0 $0x0;
	(pc) =	sbr.rel .LBB1_1-.Ltmp0, $4  }
0xc: {  	s15 =	smov.u32 s5;
	s8 =	sadd.s32 s8, s9;
	s7 =	sadd.s32 s6, s7  }
0xd: {  	s16 =	smov.u32 s3;
	s6 =	simm.s32 $0x1;
	s7 =	smul.u32 s8, s7  }
0xe: {  	p0 =	por $0x0, $0x0;
	s8 =	sand.u32 $0x80, s30;
	[sflag:s6] =	ssyncpa.u1 $0x0  }
0xf: {  	[sflag:s31] =	ssyncpa.u1 $0x0;
	s9 =	sshll.u32 s8, $0x3;
	s10 =	sadd.s32 $0x1, s7  }
.LBB1_4:
0x10: {  	s25 =	sshra.s32 s25, $0x2;
	s26 =	sshrl.u32 s14, $0x7;
	p1 =	sgt.s32 s14, $0x380  }
0x11: {  	s27 =	sshra.s32 s14, $0x1F;
	s29 =	smov.u32 s13;
	s31 =	sshra.s32 s13, $0x1F  }
0x12: {  	s24 =	sadd.s32 s25, s24;
	s30 =	sadd.s32 s26, s12;
	s26 =	smov.u32 s14  }
0x13: {  	v5 =	vld [tilespmem:s22+$0xFFFFFFD0];
	[tilespmem:s23+$0x2040 ss:$0x81] =	vst.msk $0xffff, v4;
	s27 =	sand.u32 s27, s14;
	s25 =	sand.u32 $0x3FFFFF, s30;
	s26 =	simm.s32 @!p1 $0x380  }
0x14: {  	v58 =	vld [tilespmem:s22+$0xFFFFFFE0];
	[tilespmem:s23+$0x2850 ss:$0x81] =	vst.msk $0xffff, v3;
	p1 =	sgt.s32 s13, $0xC7;
	s28 =	smulhi.u32 $0x124924A, s25;
	s26 =	ssub.s32 s26, s27  }
0x15: {  	v59 =	vld [tilespmem:s22+$0xFFFFFFF0];
	[tilespmem:s23+$0x3060 ss:$0x81] =	vst.msk $0xffff, v2;
	s29 =	simm.s32 @!p1 $0xC7;
	s27 =	sand.u32 s31, s13;
	p1 =	sgt.s32 s12, $0x60  }
0x16: {  	v60 =	vld [tilespmem:s22+$0x0];
	[tilespmem:s23+$0x0 ss:$0x81] =	vst.msk $0xffff, v1;
	s23 =	ssub.s32 s29, s27;
	s27 =	smov.u32 s12;
	s30 =	sadd.s32 $0xFFFFFC80, s26  }
0x17: {  	v61 =	vld [tilespmem:s22+$0x10];
	[tilespmem:s24+$0x3870 ss:$0x81] =	vst.msk $0xffff, v0;
	s26 =	ssub.s32 $0x400, s26;
	s27 =	simm.s32 @!p1 $0x60;
	p1 =	sgt.s32 s30, $0x7F  }
0x18: {  	v62 =	vld [tilespmem:s22+$0x20];
	s28 =	smul.u32 $0xE0, s28;
	[tilespmem:s24+$0x810 ss:$0x81] =	vst.msk $0xffff, v5;
	s27 =	ssub.s32 $0xE0, s27;
	s26 =	simm.s32 @p1 $0x0  }
0x19: {  	v63 =	vld [tilespmem:s22+$0xFFFFFFC0];
	s29 =	sand.u32 $0x7, s14;
	s31 =	sadd.s32 $0xFFFFFF39, s23;
	[tilespmem:s24+$0x1020 ss:$0x81] =	vst.msk $0xffff, v58;
	s26 =	smul.u32 s27, s26  }
0x1a: {  	s22 =	ssub.s32 $0xC8, s23;
	[tilespmem:s24+$0x1830 ss:$0x81] =	vst.msk $0xffff, v59;
	p1 =	sgt.s32 s31, $0x0;
	s27 =	smul.u32 $0x7000, s13  }
0x1b: {  	[tilespmem:s24+$0x2040 ss:$0x81] =	vst.msk $0xffff, v60;
	s22 =	simm.s32 @p1 $0x0;
	s25 =	ssub.s32 s25, s28;
	s28 =	sshrl.u32 s14, $0x3  }
0x1c: {  	[tilespmem:s24+$0x2850 ss:$0x81] =	vst.msk $0xffff, v61;
	s23 =	sand.u32 $0xF, s28;
	s22 =	smul.u32 s22, s26;
	s26 =	sadd.s32 s2, s27  }
0x1d: {  	[tilespmem:s24+$0x3060 ss:$0x81] =	vst.msk $0xffff, v62;
	s30 =	sshll.u32 s29, $0x12;
	s25 =	sshll.u32 s25, $0x7;
	s23 =	sadd.s32 s23, s26  }
0x1e: {  	[tilespmem:s24+$0x0 ss:$0x81] =	vst.msk $0xffff, v63;
	s31 =	sor.u32 $0x400, s30;
	s22 =	sand.u32 $0x3FFFFFFF, s22;
	s23 =	sadd.s32 s25, s23  }
0x1f: {  	[hbm4b:s23+s31] =	stream.strided.scatter [tilespmem:s21], [sflag:$0x2], s22, s11, s31, $0x20;
	[tilespmem:$0x10100] =	vst v63  }
.LBB1_5:
0x20: {  	p1 =	slt.u32 s17, $0x2;
	s21 =	smov.u32 s19  }
0x21: {  	s22 =	smov.u32 s20;
	p2 =	sgt.s32 @!p1 s19, $0xC7;
	p3 =	sgt.s32 @!p1 s20, $0x380  }
0x22: {  	s23 =	sshra.s32 @!p1 s20, $0x1F;
	p2 =	por !p2, p1;
	p3 =	por !p3, p1  }
0x23: {  	s20 =	sand.u32 @!p1 s23, s20;
	s21 =	simm.s32 @p2 $0xC7;
	s22 =	simm.s32 @p3 $0x380  }
0x24: {  	p2 =	sgt.s32 @!p1 s18, $0x60;
	s20 =	ssub.s32 @!p1 s22, s20;
	s22 =	sshra.s32 @!p1 s19, $0x1F  }
0x25: {  	p2 =	por !p2, p1;
	s19 =	sand.u32 @!p1 s22, s19;
	s22 =	sadd.s32 @!p1 $0xFFFFFC80, s20  }
0x26: {  	s18 =	simm.s32 @p2 $0x60;
	s19 =	ssub.s32 @!p1 s21, s19;
	p2 =	sgt.s32 @!p1 s22, $0x7F  }
0x27: {  	s20 =	ssub.s32 @!p1 $0x400, s20;
	s21 =	sadd.s32 @!p1 $0xFFFFFF39, s19;
	p2 =	por !p2, p1  }
0x28: {  	s18 =	ssub.s32 @!p1 $0xE0, s18;
	s20 =	simm.s32 @!p2 $0x0;
	p2 =	sgt.s32 @!p1 s21, $0x0  }
0x29: {  	s19 =	ssub.s32 @!p1 $0xC8, s19;
	p2 =	por !p2, p1;
	s18 =	smul.u32 @!p1 s18, s20  }
0x2a: {  	s23 =	smov.u32 s16;
	s21 =	sadd.s32 $0x2, s15;
	s19 =	simm.s32 @!p2 $0x0  }
0x2b: {  	p2 =	sgt.s32 s21, $0xC7;
	s18 =	smul.u32 @!p1 s19, s18;
	s19 =	sadd.s32 $0x400, s16  }
0x2c: {  	s25 =	sadd.s32 $0x1, s17;
	s23 =	smov.u32 @p2 s19  }
0x2d: {  	p0 =	por !p0, !p0;
	s21 =	smov.u32 @p2 s5;
	p2 =	sgt.s32 s23, $0x3FF  }
0x2e: {  	s22 =	simm.s32 @!p1 $0x2;
	s23 =	smov.u32 @p2 s3;
	p2 =	sne.s32 s17, s10  }
.Ltmp1:
0x2f: {  	s20 =	smov.u32 s14;
	s14 =	smov.u32 s16;
	(pc) =	sbr.rel @!p2 .LBB1_6-.Ltmp1, $4  }
0x30: {  	s19 =	smov.u32 s13;
	s13 =	smov.u32 s15;
	s18 =	sand.u32 @!p1 $0x3FFFFFFF, s18  }
0x31: {  	s15 =	smov.u32 s21;
	_ =	swait.ge @!p1 [sflag:s22], s18;
	s24 =	ssub.s32 @!p1 $0x0, s18  }
0x32: {  	s18 =	smov.u32 s12;
	s12 =	smov.u32 s8;
	[sflag:s22] =	ssyncset.done @!p1 $0x0  }
0x33: {  	s17 =	smov.u32 s25;
	s16 =	smov.u32 s23;
	[sflag:s22] =	ssyncadd.s32 @!p1 s24  }
.LBB1_1:
0x34: {  	p1 =	sge.u32 s17, s7  }
0x35: {  	s21 =	sshll.u32 @!p1 s15, $0x8  }
0x36: {  	s22 =	sshll.u32 @!p1 s15, $0x7;
	s21 =	sand.u32 @!p1 $0xFFFFF800, s21  }
0x37: {  	s22 =	sand.u32 @!p1 $0x300, s22;
	s21 =	sor.u32 @!p1 s9, s21  }
0x38: {  	s21 =	sor.u32 @!p1 s22, s21  }
0x39: {  	s21 =	sshrl.u32 @!p1 s21, $0x8  }
0x3a: {  	s22 =	smulhi.u32 @!p1 $0x147AE15, s21;
	_ =	sdelay $0x1  }
0x3b: {  	s22 =	smul.u32 @!p1 $0xC8, s22  }
0x3c: {  	s31 =	sadd.s32 $0xFFFFFFFF, s17;
	s23 =	smul.u32 @!p1 $0x1900, s16  }
0x3d: {  	s24 =	sxor.u32 @!p1 $0xFFFFFFFF, s17;
	s21 =	ssub.s32 @!p1 s21, s22;
	s22 =	sshll.u32 @!p1 s15, $0x4  }
0x3e: {  	s24 =	sshll.u32 @!p1 s24, $0xE;
	s23 =	sadd.s32 @!p1 s4, s23;
	s22 =	sand.u32 @!p1 $0x10, s22  }
0x3f: {  	s24 =	sand.u32 @!p1 $0x4000, s24;
	s21 =	sshll.u32 @!p1 s21, $0x5;
	s22 =	sadd.s32 @!p1 s22, s23  }
0x40: {  	s23 =	simm.s32 @!p1 $0xC800;
	s21 =	sadd.s32 @!p1 s21, s22;
	s22 =	simm.s32 @!p1 $0x80  }
0x41: {  	[tilespmem:s24], [sflag:$0x1] =	stream.strided.gather @!p1 [hbm4b:s21+s22], $0x4000, s23, s22, $0x38;
	[tilespmem:$0x10100] =	vst v63  }
0x42: {  	p1 =	sge.u32 s31, s7  }
.Ltmp2:
0x43: {  	_ = 	snop;
	(pc) =	sbr.rel @p1 .LBB1_5-.Ltmp2, $1  }
0x44: {  	_ =	sdelay $0x3  }
0x45: {  	s21 =	simm.s32 $0x1  }
0x46: {  	_ =	swait.ge [sflag:s6], $0x4000;
	s21 =	simm.s32 @!p0 $0x0  }
0x47: {  	[sflag:s6] =	ssyncset.done $0x0;
	s22 =	sshll.u32 s21, $0xE  }
0x48: {  	[sflag:s6] =	ssyncadd.s32 $0xFFFFC000;
	s22 =	sor.u32 $0x40, s22  }
0x49: {  	s21 =	smul.u32 $0x10200, s21;
	v0 =	vld [tilespmem:s22+$0x30]  }
0x4a: {  	v1 =	vld [tilespmem:s22+$0xFFFFFFD0]  }
0x4b: {  	s21 =	sshrl.u32 s21, $0x2;
	v5 =	vld [tilespmem:s22+$0xFFFFFFE0]  }
0x4c: {  	v6 =	vld [tilespmem:s22+$0xFFFFFFF0];
	s24 =	sor.u32 $0x8000, s21  }
0x4d: {  	s31 =	sand.u32 $0x1, s17;
	v4 =	vld [tilespmem:s22+$0x0];
	s23 =	sadd.s32 $0x0, s24  }
0x4e: {  	v3 =	vld [tilespmem:s22+$0x10];
	s21 =	smul.u32 $0x10200, s31;
	[tilespmem:s23+$0x3870 ss:$0x81] =	vst.msk $0xffff, v0  }
0x4f: {  	v2 =	vld [tilespmem:s22+$0x20];
	[tilespmem:s23+$0x810 ss:$0x81] =	vst.msk $0xffff, v1  }
0x50: {  	s21 =	sshrl.u32 s21, $0x2;
	v1 =	vld [tilespmem:s22+$0xFFFFFFC0];
	[tilespmem:s23+$0x1020 ss:$0x81] =	vst.msk $0xffff, v5;
	s22 =	sadd.s32 $0x80, s22  }
0x51: {  	s25 =	simm.s32 $0x4;
	s26 =	simm.s32 $0x8;
	s21 =	sor.u32 $0x8000, s21;
	[tilespmem:s23+$0x1830 ss:$0x81] =	vst.msk $0xffff, v6;
	v0 =	vld [tilespmem:s22+$0x30]  }
.LBB1_3:
0x52: {  	p1 =	sne.s32 s26, $0x1FC;
	v5 =	vld [tilespmem:s22+$0xFFFFFFD0];
	[tilespmem:s23+$0x2040 ss:$0x81] =	vst.msk $0xffff, v4  }
0x53: {  	v6 =	vld [tilespmem:s22+$0xFFFFFFE0];
	[tilespmem:s23+$0x2850 ss:$0x81] =	vst.msk $0xffff, v3  }
0x54: {  	s27 =	sshra.s32 s25, $0x2;
	s25 =	smov.u32 s26;
	v7 =	vld [tilespmem:s22+$0xFFFFFFF0];
	[tilespmem:s23+$0x3060 ss:$0x81] =	vst.msk $0xffff, v2  }
.Ltmp3:
0x55: {  	v4 =	vld [tilespmem:s22+$0x0];
	[tilespmem:s23+$0x0 ss:$0x81] =	vst.msk $0xffff, v1;
	s23 =	sadd.s32 s27, s24;
	(pc) =	sbr.rel @p1 .LBB1_3-.Ltmp3, $4  }
0x56: {  	v3 =	vld [tilespmem:s22+$0x10];
	[tilespmem:s23+$0x3870 ss:$0x81] =	vst.msk $0xffff, v0  }
0x57: {  	[tilespmem:s23+$0x810 ss:$0x81] =	vst.msk $0xffff, v5;
	v2 =	vld [tilespmem:s22+$0x20]  }
0x58: {  	v1 =	vld [tilespmem:s22+$0xFFFFFFC0];
	[tilespmem:s23+$0x1020 ss:$0x81] =	vst.msk $0xffff, v6;
	s22 =	sadd.s32 $0x80, s22  }
0x59: {  	s26 =	sadd.s32 $0x4, s26;
	v0 =	vld [tilespmem:s22+$0x30];
	[tilespmem:s23+$0x1830 ss:$0x81] =	vst.msk $0xffff, v7  }
.Ltmp4:
0x5a: {  	_ = 	snop;
	(pc) =	sbr.rel .LBB1_4-.Ltmp4, $1  }
0x5b: {  	_ =	sdelay $0x3  }
.LBB1_6:
0x5c: {  	_ =	sfence.sel $0x180000  }
0x5d: {  	s2 =	simm.s32 $0x1;
	[bflag:$0x0] =	sbarrier.arrive $0xFFFF  }
0x5e: {  	s31 =	simm.s32 $0x2;
	[sflag:s2] =	ssyncpa.u1 $0x1  }
0x5f: {  	[sflag:s31] =	ssyncpa.u1 $0x1  }
0x60: {  	p0 =	sne.s32 s1, $0x0;
	_ =	strace $0x9000004A  }
0x61: {  	s0 =	sadd.s32 @!p0 $0x100000, s0;
	[bflag:$0x2] =	sbarrier.arrive $0xFFFF  }
0x62: {  	[sflag:s0] =	ssyncadd.tile.s32 @!p0 $0x1;
	_ =	shalt  }
.Lfunc_end1:
_tile_overlayer_lowered:
.L_overlay_start_2:
0x63: {  	(tag) =	ssettag $0x2  }
0x64: {  	s0 =	rddreg [dreg:$0x0];
	s2 =	stileid.u32  }
0x65: {  	s1 =	rddreg [dreg:$0x1];
	p0 =	sne.s32 s2, $0x0  }
0x66: {  	s3 =	rddreg [dreg:$0x2];
	[bflag:$0x3] =	sbarrier.arrive $0xFFFF;
	s2 =	simm.s32 @!p0 $0x1C01  }
0x67: {  	[timem:s3], [sflag:s2] =	dma.local @!p0 [hbm:s0], s1  }
0x68: {  	s0 =	simm.s32 @!p0 $0x1  }
0x69: {  	_ =	swait.ge @!p0 [sflag:s0], s1  }
0x6a: {  	s1 =	ssub.s32 @!p0 $0x0, s1;
	[sflag:s0] =	ssyncset.done @!p0 $0x0  }
0x6b: {  	[sflag:s0] =	ssyncadd.s32 @!p0 s1  }
0x6c: {  	[bflag:$0x3] =	sbarrier.arrive $0xFFFF  }
0x6d: {  	_ =	shalt  }

</sc_bundles>
